<compile_context>
chip_gen: v7x
topology: tpu7x:2x2x1
jax: 0.10.2.dev20260603
libtpu: 0.0.44.dev20260713+nightly
codegen_flags: <defaults>
</compile_context>

<pallas_src>
import functools

import jax
import jax.numpy as jnp
from jax import lax
from jax.experimental import pallas as pl
from jax.experimental.pallas import tpu as pltpu
from jax.experimental.pallas import tpu_sc as plsc

_NQ = 128
_L = 16


def _sel_body(intra_ref, scores_ref, idx_ref, gidx_ref, val_ref):
    ns = intra_ref.shape[-1]
    n = scores_ref.shape[-1]
    kc = ns // 2
    m = kc + _NQ
    bb = pl.program_id(0)

    it_row = intra_ref[0]
    s_row = scores_ref[0]
    it_col = it_row.reshape(ns, 1)
    j_col = jax.lax.broadcasted_iota(jnp.int32, (ns, 1), 0)
    j_row = jax.lax.broadcasted_iota(jnp.int32, (1, ns), 1)

    CH = 384
    rank_chunks = []
    for c0 in range(0, ns, CH):
        it_i = jax.lax.slice(it_row, (0, c0), (1, c0 + CH))
        i_row = jax.lax.broadcasted_iota(jnp.int32, (1, CH), 1) + c0
        less = it_col < it_i
        tie = (it_col == it_i) & (j_col < i_row)
        mask = (less | tie).astype(jnp.int32)
        rank_chunks.append(jnp.sum(mask, axis=0, keepdims=True))
    rank_row = jnp.concatenate(rank_chunks, axis=1)

    s_supp_row = jax.lax.slice(s_row, (0, 0), (1, ns))
    PCH = 192
    idx_chunks, val_chunks = [], []
    for p0 in range(0, kc, PCH):
        p_col = jax.lax.broadcasted_iota(jnp.int32, (PCH, 1), 0) + p0
        onehot = rank_row == p_col
        idx_chunks.append(jnp.sum(
            jnp.where(onehot, j_row, 0), axis=1, keepdims=True))
        val_chunks.append(jnp.sum(
            jnp.where(onehot, s_supp_row, 0.0), axis=1, keepdims=True))
    q_iota = jax.lax.broadcasted_iota(jnp.int32, (_NQ, 1), 0) + ns
    s_col = s_row.reshape(n, 1)
    idx_col = jnp.concatenate(idx_chunks + [q_iota], axis=0)
    val_col = jnp.concatenate(
        val_chunks + [jax.lax.slice(s_col, (ns, 0), (n, 1))], axis=0)
    idx_ref[0] = idx_col.reshape(1, m)
    gidx_ref[0] = (idx_col + bb * n).reshape(1, m)
    val_ref[0] = val_col.reshape(1, m)


def _select(intra, scores):
    B, ns = intra.shape
    n = scores.shape[-1]
    m = ns // 2 + _NQ
    return pl.pallas_call(
        _sel_body,
        grid=(B,),
        in_specs=[
            pl.BlockSpec((1, 1, ns), lambda b_: (b_, 0, 0)),
            pl.BlockSpec((1, 1, n), lambda b_: (b_, 0, 0)),
        ],
        out_specs=[
            pl.BlockSpec((1, 1, m), lambda b_: (b_, 0, 0)),
            pl.BlockSpec((1, 1, m), lambda b_: (b_, 0, 0)),
            pl.BlockSpec((1, 1, m), lambda b_: (b_, 0, 0)),
        ],
        out_shape=[
            jax.ShapeDtypeStruct((B, 1, m), jnp.int32),
            jax.ShapeDtypeStruct((B, 1, m), jnp.int32),
            jax.ShapeDtypeStruct((B, 1, m), jnp.float32),
        ],
        compiler_params=pltpu.CompilerParams(
            dimension_semantics=("arbitrary",)),
    )(intra.reshape(B, 1, ns), scores.reshape(B, 1, n))


def _newx_body(idx_ref, val_ref, x_ref, newX_ref):
    n = x_ref.shape[-2]
    m = idx_ref.shape[-1]
    idx_col = idx_ref[0].reshape(m, 1)
    val_col = val_ref[0].reshape(m, 1)
    jn_row = jax.lax.broadcasted_iota(jnp.int32, (1, n), 1)
    RCH = 272
    for r0 in range(0, m, RCH):
        idx_c = jax.lax.slice(idx_col, (r0, 0), (r0 + RCH, 1))
        val_c = jax.lax.slice(val_col, (r0, 0), (r0 + RCH, 1))
        g_c = (idx_c == jn_row).astype(jnp.float32)
        newX_ref[0, pl.ds(r0, RCH), :] = jax.lax.dot_general(
            g_c * val_c, x_ref[0], (((1,), (0,)), ((), ())),
            precision=jax.lax.Precision.HIGHEST,
            preferred_element_type=jnp.float32)


def _newx(idx3, val3, X):
    B, N, D = X.shape
    m = idx3.shape[-1]
    return pl.pallas_call(
        _newx_body,
        grid=(B,),
        in_specs=[
            pl.BlockSpec((1, 1, m), lambda b_: (b_, 0, 0)),
            pl.BlockSpec((1, 1, m), lambda b_: (b_, 0, 0)),
            pl.BlockSpec((1, N, D), lambda b_: (b_, 0, 0)),
        ],
        out_specs=pl.BlockSpec((1, m, D), lambda b_: (b_, 0, 0)),
        out_shape=jax.ShapeDtypeStruct((B, m, D), jnp.float32),
        compiler_params=pltpu.CompilerParams(
            dimension_semantics=("arbitrary",)),
    )(idx3, val3, X)


def _sc_gather(A2, gidx3, idx3):
    BN, N = A2.shape
    B, _, m = idx3.shape
    R = B * m
    info = plsc.get_sparse_core_info()
    NC, NS = info.num_cores, info.num_subcores
    NW = NC * NS
    WPB = NW // B
    NROW = m // WPB
    G = 8
    NCH = NROW // G
    NV = m // _L

    NB = 3
    HMAX = NCH // NB
    NTAIL = NCH - NB * HMAX
    mesh = plsc.VectorSubcoreMesh(core_axis_name="c", subcore_axis_name="s")

    @functools.partial(
        pl.kernel, mesh=mesh,
        out_type=jax.ShapeDtypeStruct((R, m), jnp.float32),
        scratch_types=[
            pltpu.VMEM((m,), jnp.int32),
            pltpu.VMEM((m,), jnp.int32),
            [pltpu.VMEM((G, N), jnp.float32)] * NB,
            [pltpu.VMEM((G, m), jnp.float32)] * NB,
            [pltpu.SemaphoreType.DMA] * NB,
            [pltpu.SemaphoreType.DMA] * NB,
        ],
        compiler_params=pltpu.CompilerParams(needs_layout_passes=False),
    )
    def k(a2, gidx_h, cidx_h, out, colv, rowv, rbs, obs, sgs, sws):
        wid = lax.axis_index("s") * NC + lax.axis_index("c")
        b = wid // WPB
        kk = wid - b * WPB
        pltpu.sync_copy(cidx_h.at[b, 0], colv)
        pltpu.sync_copy(gidx_h.at[b, 0], rowv)

        def g_copy(ci, j):
            return pltpu.make_async_copy(
                a2.at[rowv.at[pl.ds(kk * NROW + ci * G, G)]], rbs[j],
                sgs[j])

        def w_copy(ci, j):
            return pltpu.make_async_copy(
                obs[j], out.at[pl.ds(wid * NROW + ci * G, G)], sws[j])

        def compute(j):
            rb, ob = rbs[j], obs[j]

            def vstep(v, c2):
                cvec = colv[pl.ds(v * _L, _L)]
                vals = [
                    plsc.load_gather(rb, [jnp.full((_L,), i, jnp.int32), cvec])
                    for i in range(G)
                ]
                for i in range(G):
                    ob[i, pl.ds(v * _L, _L)] = vals[i]
                return c2

            lax.fori_loop(0, NV, vstep, 0)

        for j in range(NB):
            g_copy(j, j).start()

        def body(h, carry):
            for j in range(NB):
                a = NB * h + j

                @pl.when(h > 0)
                def _():
                    w_copy(a - NB, j).wait()

                g_copy(a, j).wait()
                compute(j)

                @pl.when(a + NB < NCH)
                def _():
                    g_copy(a + NB, j).start()

                w_copy(a, j).start()
            return carry

        lax.fori_loop(0, HMAX, body, 0)
        for t in range(NTAIL):
            a = NB * HMAX + t
            w_copy(a - NB, t).wait()
            g_copy(a, t).wait()
            compute(t)
            w_copy(a, t).start()
        for t in range(NTAIL):
            w_copy(NB * HMAX + t, t).wait()
        for t in range(NTAIL, NB):
            w_copy(NB * (HMAX - 1) + t, t).wait()

    return k(A2, gidx3, idx3)


def kernel(A, X, W, b):
    B, N, D = X.shape
    ns = N - _NQ
    m = ns // 2 + _NQ
    scores = jax.nn.sigmoid(jnp.squeeze(X @ W + b, -1) / 100.0)
    supp = scores[:, :ns]
    intra = supp - jnp.mean(supp, axis=1, keepdims=True)

    idx3, gidx3, val3 = _select(intra, scores)
    newA2 = _sc_gather(A.reshape(B * N, N), gidx3, idx3)
    newX = _newx(idx3, val3, X)
    return newA2.reshape(B, m, m), newX, idx3.reshape(B, m)

# --- scband reference (transcript-rebuilt; emitter-appended) ---
"""Pipeline reference for scband-graph-pool-76124000354794 (READ-ONLY COPY).

The authoritative reference and input builder live on the scoring server;
editing this copy changes nothing except your own understanding.
"""

import jax, jax.numpy as jnp
import numpy as np

K_RATIO = 0.5
NUM_QUERIES = 128

def setup_inputs(seed: int = 0) -> dict:
    key = jax.random.key(seed)
    kA, kX, kW, kb = jax.random.split(key, 4)
    A = jax.random.uniform(kA, (4, 2048, 2048), dtype=jnp.float32)
    X = jax.random.normal(kX, (4, 2048, 128), dtype=jnp.float32)
    W = jax.random.normal(kW, (128, 1), dtype=jnp.float32) * 0.05
    b = jax.random.normal(kb, (1,), dtype=jnp.float32) * 0.05
    return {"A": A, "X": X, "W": W, "b": b}

def reference(A, X, W, b):
    B, N, D = X.shape
    ns = N - NUM_QUERIES
    kc = int(K_RATIO * ns)
    # proj + sigmoid(scores / 100)
    scores = jax.nn.sigmoid(jnp.squeeze(X @ W + b, -1) / 100.0)  # [B, N]
    supp = scores[:, :ns]
    intra = supp - jnp.mean(supp, axis=1, keepdims=True)
    # torch.topk(largest=False) == top_k of negated values (ascending order preserved)
    _, supp_idx = jax.lax.top_k(-intra, kc)  # [B, kc]
    supp_vals = jnp.take_along_axis(supp, supp_idx, axis=1)
    q_idx = jnp.broadcast_to(jnp.arange(ns, N, dtype=supp_idx.dtype), (B, NUM_QUERIES))
    vals = jnp.concatenate([supp_vals, scores[:, ns:]], axis=1)  # [B, kc+nq]
    idx = jnp.concatenate([supp_idx, q_idx], axis=1)  # [B, kc+nq]
    new_X = jnp.take_along_axis(X, idx[:, :, None], axis=1) * vals[:, :, None]
    new_A = jnp.take_along_axis(A, idx[:, :, None], axis=1)
    new_A = jnp.take_along_axis(new_A, idx[:, None, :], axis=2)
    return new_A, new_X, idx

if __name__ == "__main__":
    import jax
    _d = setup_inputs()
    print(jax.jit(kernel)(*tuple(_d.values())))

</pallas_src>

<mosaic_0001>
#map = affine_map<(d0, d1) -> (0, 0)>
#map1 = affine_map<(d0, d1) -> (0, 0, 0)>
module attributes {stable_mosaic.version = 14 : i64} {
  func.func @k(%arg0: i32, %arg1: i32, %arg2: memref<8192x2048xf32, #tpu.memory_space<hbm>>, %arg3: memref<4x1x1088xi32, #tpu.memory_space<hbm>>, %arg4: memref<4x1x1088xi32, #tpu.memory_space<hbm>>, %arg5: memref<4352x1088xf32, #tpu.memory_space<hbm>>, %arg6: memref<1088xi32, #tpu.memory_space<vmem>>, %arg7: memref<1088xi32, #tpu.memory_space<vmem>>, %arg8: memref<8x2048xf32, #tpu.memory_space<vmem>>, %arg9: memref<8x2048xf32, #tpu.memory_space<vmem>>, %arg10: memref<8x2048xf32, #tpu.memory_space<vmem>>, %arg11: memref<8x1088xf32, #tpu.memory_space<vmem>>, %arg12: memref<8x1088xf32, #tpu.memory_space<vmem>>, %arg13: memref<8x1088xf32, #tpu.memory_space<vmem>>, %arg14: memref<!tpu.dma_semaphore, #tpu.memory_space<semaphore_mem>>, %arg15: memref<!tpu.dma_semaphore, #tpu.memory_space<semaphore_mem>>, %arg16: memref<!tpu.dma_semaphore, #tpu.memory_space<semaphore_mem>>, %arg17: memref<!tpu.dma_semaphore, #tpu.memory_space<semaphore_mem>>, %arg18: memref<!tpu.dma_semaphore, #tpu.memory_space<semaphore_mem>>, %arg19: memref<!tpu.dma_semaphore, #tpu.memory_space<semaphore_mem>>) attributes {dimension_semantics = [#tpu.dimension_semantics<core_parallel>, #tpu.dimension_semantics<subcore_parallel>], iteration_bounds = array<i64: 2, 16>, scalar_prefetch = 0 : i64, scratch_operands = 14 : i64, tpu.core_type = #tpu.core_type<sc_vector_subcore>, window_params = [{transform_indices = #map}, {transform_indices = #map1}, {transform_indices = #map1}, {transform_indices = #map}]} {
    %mul3A = arith.constant 2 : i32
    %mul3A_0 = arith.muli %arg1, %mul3A : i32
    %add3A = arith.addi %mul3A_0, %arg0 : i32
    %jit3A = arith.constant 8 : i32
    %div3A = arith.divsi %add3A, %jit3A : i32
    %sign3A = arith.constant 0 : i32
    %sign3A_1 = arith.cmpi sgt, %add3A, %sign3A : i32
    %sign3A_2 = arith.extui %sign3A_1 : i1 to i32
    %sign3A_3 = arith.constant 0 : i32
    %sign3A_4 = arith.cmpi slt, %add3A, %sign3A_3 : i32
    %sign3A_5 = arith.extui %sign3A_4 : i1 to i32
    %sign3A_6 = arith.subi %sign3A_2, %sign3A_5 : i32
    %sign3A_7 = arith.constant 0 : i32
    %sign3A_8 = arith.cmpi sgt, %jit3A, %sign3A_7 : i32
    %sign3A_9 = arith.extui %sign3A_8 : i1 to i32
    %sign3A_10 = arith.constant 0 : i32
    %sign3A_11 = arith.cmpi slt, %jit3A, %sign3A_10 : i32
    %sign3A_12 = arith.extui %sign3A_11 : i1 to i32
    %sign3A_13 = arith.subi %sign3A_9, %sign3A_12 : i32
    %ne3A = arith.cmpi ne, %sign3A_6, %sign3A_13 : i32
    %rem3A = arith.remsi %add3A, %jit3A : i32
    %ne3A_14 = arith.constant 0 : i32
    %ne3A_15 = arith.cmpi ne, %rem3A, %ne3A_14 : i32
    %and3A = arith.andi %ne3A, %ne3A_15 : i1
    %sub3A = arith.constant 1 : i32
    %sub3A_16 = arith.subi %div3A, %sub3A : i32
    %select_n3A = arith.select %and3A, %sub3A_16, %div3A : i32
    %mul3A_17 = arith.constant 8 : i32
    %mul3A_18 = arith.muli %select_n3A, %mul3A_17 : i32
    %sub3A_19 = arith.subi %add3A, %mul3A_18 : i32
    %run_scoped3A = arith.constant 0 : i32
    "tpu.region"() ({
      %run_scoped3A_132 = tpu.sem_alloc : memref<!tpu.dma_semaphore, #tpu.memory_space<semaphore_mem>>
      %dma_start3A_133 = arith.constant 0 : i32
      %dma_start3A_134 = tpu.memref_slice %arg4[%select_n3A, %run_scoped3A, %dma_start3A_133] : memref<4x1x1088xi32, #tpu.memory_space<hbm>> -> memref<1x1x1088xi32, #tpu.memory_space<hbm>>
      %dma_start3A_135 = tpu.memref_squeeze %dma_start3A_134 : memref<1x1x1088xi32, #tpu.memory_space<hbm>> -> memref<1088xi32, #tpu.memory_space<hbm>>
      %dma_start3A_136 = arith.constant 0 : i32
      %dma_start3A_137 = tpu.memref_slice %arg4[%select_n3A, %run_scoped3A, %dma_start3A_136] : memref<4x1x1088xi32, #tpu.memory_space<hbm>> -> memref<1x1x1088xi32, #tpu.memory_space<hbm>>
      %dma_start3A_138 = tpu.memref_squeeze %dma_start3A_137 : memref<1x1x1088xi32, #tpu.memory_space<hbm>> -> memref<1088xi32, #tpu.memory_space<hbm>>
      tpu.enqueue_dma source(%dma_start3A_138 : memref<1088xi32, #tpu.memory_space<hbm>>) target(%arg6 : memref<1088xi32, #tpu.memory_space<vmem>>) target_semaphore(%run_scoped3A_132 : memref<!tpu.dma_semaphore, #tpu.memory_space<semaphore_mem>>)
      %dma_wait3A_139 = arith.constant 0 : i32
      %dma_wait3A_140 = tpu.memref_slice %arg4[%select_n3A, %run_scoped3A, %dma_wait3A_139] : memref<4x1x1088xi32, #tpu.memory_space<hbm>> -> memref<1x1x1088xi32, #tpu.memory_space<hbm>>
      %dma_wait3A_141 = tpu.memref_squeeze %dma_wait3A_140 : memref<1x1x1088xi32, #tpu.memory_space<hbm>> -> memref<1088xi32, #tpu.memory_space<hbm>>
      %dma_wait3A_142 = arith.constant 0 : i32
      %dma_wait3A_143 = tpu.memref_slice %arg4[%select_n3A, %run_scoped3A, %dma_wait3A_142] : memref<4x1x1088xi32, #tpu.memory_space<hbm>> -> memref<1x1x1088xi32, #tpu.memory_space<hbm>>
      %dma_wait3A_144 = tpu.memref_squeeze %dma_wait3A_143 : memref<1x1x1088xi32, #tpu.memory_space<hbm>> -> memref<1088xi32, #tpu.memory_space<hbm>>
      tpu.wait_dma2 semaphore(%run_scoped3A_132 : memref<!tpu.dma_semaphore, #tpu.memory_space<semaphore_mem>>) src(%dma_wait3A_144 : memref<1088xi32, #tpu.memory_space<hbm>>) dst(%arg6 : memref<1088xi32, #tpu.memory_space<vmem>>)
      tpu.yield
    }) : () -> ()
    %run_scoped3A_20 = arith.constant 0 : i32
    "tpu.region"() ({
      %run_scoped3A_132 = tpu.sem_alloc : memref<!tpu.dma_semaphore, #tpu.memory_space<semaphore_mem>>
      %dma_start3A_133 = arith.constant 0 : i32
      %dma_start3A_134 = tpu.memref_slice %arg3[%select_n3A, %run_scoped3A_20, %dma_start3A_133] : memref<4x1x1088xi32, #tpu.memory_space<hbm>> -> memref<1x1x1088xi32, #tpu.memory_space<hbm>>
      %dma_start3A_135 = tpu.memref_squeeze %dma_start3A_134 : memref<1x1x1088xi32, #tpu.memory_space<hbm>> -> memref<1088xi32, #tpu.memory_space<hbm>>
      %dma_start3A_136 = arith.constant 0 : i32
      %dma_start3A_137 = tpu.memref_slice %arg3[%select_n3A, %run_scoped3A_20, %dma_start3A_136] : memref<4x1x1088xi32, #tpu.memory_space<hbm>> -> memref<1x1x1088xi32, #tpu.memory_space<hbm>>
      %dma_start3A_138 = tpu.memref_squeeze %dma_start3A_137 : memref<1x1x1088xi32, #tpu.memory_space<hbm>> -> memref<1088xi32, #tpu.memory_space<hbm>>
      tpu.enqueue_dma source(%dma_start3A_138 : memref<1088xi32, #tpu.memory_space<hbm>>) target(%arg7 : memref<1088xi32, #tpu.memory_space<vmem>>) target_semaphore(%run_scoped3A_132 : memref<!tpu.dma_semaphore, #tpu.memory_space<semaphore_mem>>)
      %dma_wait3A_139 = arith.constant 0 : i32
      %dma_wait3A_140 = tpu.memref_slice %arg3[%select_n3A, %run_scoped3A_20, %dma_wait3A_139] : memref<4x1x1088xi32, #tpu.memory_space<hbm>> -> memref<1x1x1088xi32, #tpu.memory_space<hbm>>
      %dma_wait3A_141 = tpu.memref_squeeze %dma_wait3A_140 : memref<1x1x1088xi32, #tpu.memory_space<hbm>> -> memref<1088xi32, #tpu.memory_space<hbm>>
      %dma_wait3A_142 = arith.constant 0 : i32
      %dma_wait3A_143 = tpu.memref_slice %arg3[%select_n3A, %run_scoped3A_20, %dma_wait3A_142] : memref<4x1x1088xi32, #tpu.memory_space<hbm>> -> memref<1x1x1088xi32, #tpu.memory_space<hbm>>
      %dma_wait3A_144 = tpu.memref_squeeze %dma_wait3A_143 : memref<1x1x1088xi32, #tpu.memory_space<hbm>> -> memref<1088xi32, #tpu.memory_space<hbm>>
      tpu.wait_dma2 semaphore(%run_scoped3A_132 : memref<!tpu.dma_semaphore, #tpu.memory_space<semaphore_mem>>) src(%dma_wait3A_144 : memref<1088xi32, #tpu.memory_space<hbm>>) dst(%arg7 : memref<1088xi32, #tpu.memory_space<vmem>>)
      tpu.yield
    }) : () -> ()
    %mul3A_21 = arith.constant 136 : i32
    %mul3A_22 = arith.muli %sub3A_19, %mul3A_21 : i32
    %add3A_23 = arith.constant 0 : i32
    %add3A_24 = arith.addi %mul3A_22, %add3A_23 : i32
    %dma_start3A = tpu.memref_slice %arg7[%add3A_24] : memref<1088xi32, #tpu.memory_space<vmem>> -> memref<8xi32, #tpu.memory_space<vmem>>
    %dma_start3A_25 = arith.constant 0 : i32
    %dma_start3A_26 = arith.constant 0 : i32
    %dma_start3A_27 = tpu.memref_slice %arg2[%dma_start3A_25, %dma_start3A_26] : memref<8192x2048xf32, #tpu.memory_space<hbm>> -> memref<8192x2048xf32, #tpu.memory_space<hbm>>
    tpu.enqueue_indirect_dma source(%dma_start3A_27 : memref<8192x2048xf32, #tpu.memory_space<hbm>>) target(%arg8 : memref<8x2048xf32, #tpu.memory_space<vmem>>) offsets(%dma_start3A : memref<8xi32, #tpu.memory_space<vmem>>) semaphore(%arg14 : memref<!tpu.dma_semaphore, #tpu.memory_space<semaphore_mem>>)
    %mul3A_28 = arith.constant 136 : i32
    %mul3A_29 = arith.muli %sub3A_19, %mul3A_28 : i32
    %add3A_30 = arith.constant 8 : i32
    %add3A_31 = arith.addi %mul3A_29, %add3A_30 : i32
    %dma_start3A_32 = tpu.memref_slice %arg7[%add3A_31] : memref<1088xi32, #tpu.memory_space<vmem>> -> memref<8xi32, #tpu.memory_space<vmem>>
    %dma_start3A_33 = arith.constant 0 : i32
    %dma_start3A_34 = arith.constant 0 : i32
    %dma_start3A_35 = tpu.memref_slice %arg2[%dma_start3A_33, %dma_start3A_34] : memref<8192x2048xf32, #tpu.memory_space<hbm>> -> memref<8192x2048xf32, #tpu.memory_space<hbm>>
    tpu.enqueue_indirect_dma source(%dma_start3A_35 : memref<8192x2048xf32, #tpu.memory_space<hbm>>) target(%arg9 : memref<8x2048xf32, #tpu.memory_space<vmem>>) offsets(%dma_start3A_32 : memref<8xi32, #tpu.memory_space<vmem>>) semaphore(%arg15 : memref<!tpu.dma_semaphore, #tpu.memory_space<semaphore_mem>>)
    %mul3A_36 = arith.constant 136 : i32
    %mul3A_37 = arith.muli %sub3A_19, %mul3A_36 : i32
    %add3A_38 = arith.constant 16 : i32
    %add3A_39 = arith.addi %mul3A_37, %add3A_38 : i32
    %dma_start3A_40 = tpu.memref_slice %arg7[%add3A_39] : memref<1088xi32, #tpu.memory_space<vmem>> -> memref<8xi32, #tpu.memory_space<vmem>>
    %dma_start3A_41 = arith.constant 0 : i32
    %dma_start3A_42 = arith.constant 0 : i32
    %dma_start3A_43 = tpu.memref_slice %arg2[%dma_start3A_41, %dma_start3A_42] : memref<8192x2048xf32, #tpu.memory_space<hbm>> -> memref<8192x2048xf32, #tpu.memory_space<hbm>>
    tpu.enqueue_indirect_dma source(%dma_start3A_43 : memref<8192x2048xf32, #tpu.memory_space<hbm>>) target(%arg10 : memref<8x2048xf32, #tpu.memory_space<vmem>>) offsets(%dma_start3A_40 : memref<8xi32, #tpu.memory_space<vmem>>) semaphore(%arg16 : memref<!tpu.dma_semaphore, #tpu.memory_space<semaphore_mem>>)
    %scan3A = arith.constant 0 : i32
    %scan3A_44 = arith.constant 0 : i32
    %scan3A_45 = arith.constant 5 : i32
    %scan3A_46 = arith.addi %scan3A_44, %scan3A_45 : i32
    %scan3A_47 = arith.constant 1 : i32
    scf.for %scan3A_132 = %scan3A_44 to %scan3A_46 step %scan3A_47  : i32 {
      %mul3A_133 = arith.constant 3 : i32
      %mul3A_134 = arith.muli %mul3A_133, %scan3A_132 : i32
      %add3A_135 = arith.constant 0 : i32
      %add3A_136 = arith.addi %mul3A_134, %add3A_135 : i32
      %gt3A = arith.constant 0 : i32
      %gt3A_137 = arith.cmpi sgt, %scan3A_132, %gt3A : i32
      %convert_element_type3A = arith.extui %gt3A_137 : i1 to i32
      %cond3A = arith.constant 0 : i32
      %cond3A_138 = arith.cmpi ne, %convert_element_type3A, %cond3A : i32
      scf.if %cond3A_138 {
        %sub3A_249 = arith.constant 3 : i32
        %sub3A_250 = arith.subi %add3A_136, %sub3A_249 : i32
        %mul3A_251 = arith.constant 136 : i32
        %mul3A_252 = arith.muli %add3A, %mul3A_251 : i32
        %mul3A_253 = arith.constant 8 : i32
        %mul3A_254 = arith.muli %sub3A_250, %mul3A_253 : i32
        %add3A_255 = arith.addi %mul3A_252, %mul3A_254 : i32
        %dma_wait3A_256 = arith.constant 0 : i32
        %dma_wait3A_257 = tpu.memref_slice %arg5[%add3A_255, %dma_wait3A_256] : memref<4352x1088xf32, #tpu.memory_space<hbm>> -> memref<8x1088xf32, #tpu.memory_space<hbm>>
        %dma_wait3A_258 = arith.constant 0 : i32
        %dma_wait3A_259 = tpu.memref_slice %arg5[%add3A_255, %dma_wait3A_258] : memref<4352x1088xf32, #tpu.memory_space<hbm>> -> memref<8x1088xf32, #tpu.memory_space<hbm>>
        tpu.wait_dma2 semaphore(%arg17 : memref<!tpu.dma_semaphore, #tpu.memory_space<semaphore_mem>>) src(%arg11 : memref<8x1088xf32, #tpu.memory_space<vmem>>) dst(%dma_wait3A_259 : memref<8x1088xf32, #tpu.memory_space<hbm>>)
      } else {
      }
      %mul3A_139 = arith.constant 136 : i32
      %mul3A_140 = arith.muli %sub3A_19, %mul3A_139 : i32
      %mul3A_141 = arith.constant 8 : i32
      %mul3A_142 = arith.muli %add3A_136, %mul3A_141 : i32
      %add3A_143 = arith.addi %mul3A_140, %mul3A_142 : i32
      %dma_wait3A_144 = tpu.memref_slice %arg7[%add3A_143] : memref<1088xi32, #tpu.memory_space<vmem>> -> memref<8xi32, #tpu.memory_space<vmem>>
      %dma_wait3A_145 = arith.constant 0 : i32
      %dma_wait3A_146 = arith.constant 0 : i32
      %dma_wait3A_147 = tpu.memref_slice %arg2[%dma_wait3A_145, %dma_wait3A_146] : memref<8192x2048xf32, #tpu.memory_space<hbm>> -> memref<8192x2048xf32, #tpu.memory_space<hbm>>
      tpu.wait_indirect_dma semaphore(%arg14 : memref<!tpu.dma_semaphore, #tpu.memory_space<semaphore_mem>>) src(%dma_wait3A_147 : memref<8192x2048xf32, #tpu.memory_space<hbm>>) dst(%arg8 : memref<8x2048xf32, #tpu.memory_space<vmem>>)
      %scan3A_148 = arith.constant 0 : i32
      %scan3A_149 = arith.constant 0 : i32
      %scan3A_150 = arith.constant 68 : i32
      %scan3A_151 = arith.addi %scan3A_149, %scan3A_150 : i32
      %scan3A_152 = arith.constant 1 : i32
      scf.for %scan3A_249 = %scan3A_149 to %scan3A_151 step %scan3A_152  : i32 {
        %mul3A_250 = arith.constant 16 : i32
        %mul3A_251 = arith.muli %scan3A_249, %mul3A_250 : i32
        %get3A = arith.index_cast %mul3A_251 : i32 to index
        %get3A_252 = tpu.vector_load %arg6[%get3A] {strides = array<i32>} : memref<1088xi32, #tpu.memory_space<vmem>>, vector<16xi32>,
        %broadcast_in_dim3A = arith.constant 0 : i32
        %broadcast_in_dim3A_253 = vector.broadcast %broadcast_in_dim3A : i32 to vector<16xi32>
        %gather3A = tpu.vector_load_idx %arg8[%broadcast_in_dim3A_253, %get3A_252] : memref<8x2048xf32, #tpu.memory_space<vmem>>[vector<16xi32>, vector<16xi32>], vector<16xf32>,
        %broadcast_in_dim3A_254 = arith.constant 1 : i32
        %broadcast_in_dim3A_255 = vector.broadcast %broadcast_in_dim3A_254 : i32 to vector<16xi32>
        %gather3A_256 = tpu.vector_load_idx %arg8[%broadcast_in_dim3A_255, %get3A_252] : memref<8x2048xf32, #tpu.memory_space<vmem>>[vector<16xi32>, vector<16xi32>], vector<16xf32>,
        %broadcast_in_dim3A_257 = arith.constant 2 : i32
        %broadcast_in_dim3A_258 = vector.broadcast %broadcast_in_dim3A_257 : i32 to vector<16xi32>
        %gather3A_259 = tpu.vector_load_idx %arg8[%broadcast_in_dim3A_258, %get3A_252] : memref<8x2048xf32, #tpu.memory_space<vmem>>[vector<16xi32>, vector<16xi32>], vector<16xf32>,
        %broadcast_in_dim3A_260 = arith.constant 3 : i32
        %broadcast_in_dim3A_261 = vector.broadcast %broadcast_in_dim3A_260 : i32 to vector<16xi32>
        %gather3A_262 = tpu.vector_load_idx %arg8[%broadcast_in_dim3A_261, %get3A_252] : memref<8x2048xf32, #tpu.memory_space<vmem>>[vector<16xi32>, vector<16xi32>], vector<16xf32>,
        %broadcast_in_dim3A_263 = arith.constant 4 : i32
        %broadcast_in_dim3A_264 = vector.broadcast %broadcast_in_dim3A_263 : i32 to vector<16xi32>
        %gather3A_265 = tpu.vector_load_idx %arg8[%broadcast_in_dim3A_264, %get3A_252] : memref<8x2048xf32, #tpu.memory_space<vmem>>[vector<16xi32>, vector<16xi32>], vector<16xf32>,
        %broadcast_in_dim3A_266 = arith.constant 5 : i32
        %broadcast_in_dim3A_267 = vector.broadcast %broadcast_in_dim3A_266 : i32 to vector<16xi32>
        %gather3A_268 = tpu.vector_load_idx %arg8[%broadcast_in_dim3A_267, %get3A_252] : memref<8x2048xf32, #tpu.memory_space<vmem>>[vector<16xi32>, vector<16xi32>], vector<16xf32>,
        %broadcast_in_dim3A_269 = arith.constant 6 : i32
        %broadcast_in_dim3A_270 = vector.broadcast %broadcast_in_dim3A_269 : i32 to vector<16xi32>
        %gather3A_271 = tpu.vector_load_idx %arg8[%broadcast_in_dim3A_270, %get3A_252] : memref<8x2048xf32, #tpu.memory_space<vmem>>[vector<16xi32>, vector<16xi32>], vector<16xf32>,
        %broadcast_in_dim3A_272 = arith.constant 7 : i32
        %broadcast_in_dim3A_273 = vector.broadcast %broadcast_in_dim3A_272 : i32 to vector<16xi32>
        %gather3A_274 = tpu.vector_load_idx %arg8[%broadcast_in_dim3A_273, %get3A_252] : memref<8x2048xf32, #tpu.memory_space<vmem>>[vector<16xi32>, vector<16xi32>], vector<16xf32>,
        %mul3A_275 = arith.constant 16 : i32
        %mul3A_276 = arith.muli %scan3A_249, %mul3A_275 : i32
        %swap3A = arith.constant 0 : i32
        %swap3A_277 = arith.index_cast %swap3A : i32 to index
        %swap3A_278 = arith.index_cast %mul3A_276 : i32 to index
        %swap3A_279 = tpu.vector_load %arg11[%swap3A_277, %swap3A_278] {strides = array<i32>} : memref<8x1088xf32, #tpu.memory_space<vmem>>, vector<16xf32>,
        tpu.vector_store %arg11[%swap3A_277, %swap3A_278], %gather3A {strides = array<i32>} : memref<8x1088xf32, #tpu.memory_space<vmem>>, vector<16xf32>,
        %mul3A_280 = arith.constant 16 : i32
        %mul3A_281 = arith.muli %scan3A_249, %mul3A_280 : i32
        %swap3A_282 = arith.constant 1 : i32
        %swap3A_283 = arith.index_cast %swap3A_282 : i32 to index
        %swap3A_284 = arith.index_cast %mul3A_281 : i32 to index
        %swap3A_285 = tpu.vector_load %arg11[%swap3A_283, %swap3A_284] {strides = array<i32>} : memref<8x1088xf32, #tpu.memory_space<vmem>>, vector<16xf32>,
        tpu.vector_store %arg11[%swap3A_283, %swap3A_284], %gather3A_256 {strides = array<i32>} : memref<8x1088xf32, #tpu.memory_space<vmem>>, vector<16xf32>,
        %mul3A_286 = arith.constant 16 : i32
        %mul3A_287 = arith.muli %scan3A_249, %mul3A_286 : i32
        %swap3A_288 = arith.constant 2 : i32
        %swap3A_289 = arith.index_cast %swap3A_288 : i32 to index
        %swap3A_290 = arith.index_cast %mul3A_287 : i32 to index
        %swap3A_291 = tpu.vector_load %arg11[%swap3A_289, %swap3A_290] {strides = array<i32>} : memref<8x1088xf32, #tpu.memory_space<vmem>>, vector<16xf32>,
        tpu.vector_store %arg11[%swap3A_289, %swap3A_290], %gather3A_259 {strides = array<i32>} : memref<8x1088xf32, #tpu.memory_space<vmem>>, vector<16xf32>,
        %mul3A_292 = arith.constant 16 : i32
        %mul3A_293 = arith.muli %scan3A_249, %mul3A_292 : i32
        %swap3A_294 = arith.constant 3 : i32
        %swap3A_295 = arith.index_cast %swap3A_294 : i32 to index
        %swap3A_296 = arith.index_cast %mul3A_293 : i32 to index
        %swap3A_297 = tpu.vector_load %arg11[%swap3A_295, %swap3A_296] {strides = array<i32>} : memref<8x1088xf32, #tpu.memory_space<vmem>>, vector<16xf32>,
        tpu.vector_store %arg11[%swap3A_295, %swap3A_296], %gather3A_262 {strides = array<i32>} : memref<8x1088xf32, #tpu.memory_space<vmem>>, vector<16xf32>,
        %mul3A_298 = arith.constant 16 : i32
        %mul3A_299 = arith.muli %scan3A_249, %mul3A_298 : i32
        %swap3A_300 = arith.constant 4 : i32
        %swap3A_301 = arith.index_cast %swap3A_300 : i32 to index
        %swap3A_302 = arith.index_cast %mul3A_299 : i32 to index
        %swap3A_303 = tpu.vector_load %arg11[%swap3A_301, %swap3A_302] {strides = array<i32>} : memref<8x1088xf32, #tpu.memory_space<vmem>>, vector<16xf32>,
        tpu.vector_store %arg11[%swap3A_301, %swap3A_302], %gather3A_265 {strides = array<i32>} : memref<8x1088xf32, #tpu.memory_space<vmem>>, vector<16xf32>,
        %mul3A_304 = arith.constant 16 : i32
        %mul3A_305 = arith.muli %scan3A_249, %mul3A_304 : i32
        %swap3A_306 = arith.constant 5 : i32
        %swap3A_307 = arith.index_cast %swap3A_306 : i32 to index
        %swap3A_308 = arith.index_cast %mul3A_305 : i32 to index
        %swap3A_309 = tpu.vector_load %arg11[%swap3A_307, %swap3A_308] {strides = array<i32>} : memref<8x1088xf32, #tpu.memory_space<vmem>>, vector<16xf32>,
        tpu.vector_store %arg11[%swap3A_307, %swap3A_308], %gather3A_268 {strides = array<i32>} : memref<8x1088xf32, #tpu.memory_space<vmem>>, vector<16xf32>,
        %mul3A_310 = arith.constant 16 : i32
        %mul3A_311 = arith.muli %scan3A_249, %mul3A_310 : i32
        %swap3A_312 = arith.constant 6 : i32
        %swap3A_313 = arith.index_cast %swap3A_312 : i32 to index
        %swap3A_314 = arith.index_cast %mul3A_311 : i32 to index
        %swap3A_315 = tpu.vector_load %arg11[%swap3A_313, %swap3A_314] {strides = array<i32>} : memref<8x1088xf32, #tpu.memory_space<vmem>>, vector<16xf32>,
        tpu.vector_store %arg11[%swap3A_313, %swap3A_314], %gather3A_271 {strides = array<i32>} : memref<8x1088xf32, #tpu.memory_space<vmem>>, vector<16xf32>,
        %mul3A_316 = arith.constant 16 : i32
        %mul3A_317 = arith.muli %scan3A_249, %mul3A_316 : i32
        %swap3A_318 = arith.constant 7 : i32
        %swap3A_319 = arith.index_cast %swap3A_318 : i32 to index
        %swap3A_320 = arith.index_cast %mul3A_317 : i32 to index
        %swap3A_321 = tpu.vector_load %arg11[%swap3A_319, %swap3A_320] {strides = array<i32>} : memref<8x1088xf32, #tpu.memory_space<vmem>>, vector<16xf32>,
        tpu.vector_store %arg11[%swap3A_319, %swap3A_320], %gather3A_274 {strides = array<i32>} : memref<8x1088xf32, #tpu.memory_space<vmem>>, vector<16xf32>,
      }
      %scan3A_153 = arith.constant 68 : i32
      %add3A_154 = arith.constant 3 : i32
      %add3A_155 = arith.addi %add3A_136, %add3A_154 : i32
      %lt3A = arith.constant 17 : i32
      %lt3A_156 = arith.cmpi slt, %add3A_155, %lt3A : i32
      %convert_element_type3A_157 = arith.extui %lt3A_156 : i1 to i32
      %cond3A_158 = arith.constant 0 : i32
      %cond3A_159 = arith.cmpi ne, %convert_element_type3A_157, %cond3A_158 : i32
      scf.if %cond3A_159 {
        %add3A_249 = arith.constant 3 : i32
        %add3A_250 = arith.addi %add3A_136, %add3A_249 : i32
        %mul3A_251 = arith.constant 136 : i32
        %mul3A_252 = arith.muli %sub3A_19, %mul3A_251 : i32
        %mul3A_253 = arith.constant 8 : i32
        %mul3A_254 = arith.muli %add3A_250, %mul3A_253 : i32
        %add3A_255 = arith.addi %mul3A_252, %mul3A_254 : i32
        %dma_start3A_256 = tpu.memref_slice %arg7[%add3A_255] : memref<1088xi32, #tpu.memory_space<vmem>> -> memref<8xi32, #tpu.memory_space<vmem>>
        %dma_start3A_257 = arith.constant 0 : i32
        %dma_start3A_258 = arith.constant 0 : i32
        %dma_start3A_259 = tpu.memref_slice %arg2[%dma_start3A_257, %dma_start3A_258] : memref<8192x2048xf32, #tpu.memory_space<hbm>> -> memref<8192x2048xf32, #tpu.memory_space<hbm>>
        tpu.enqueue_indirect_dma source(%dma_start3A_259 : memref<8192x2048xf32, #tpu.memory_space<hbm>>) target(%arg8 : memref<8x2048xf32, #tpu.memory_space<vmem>>) offsets(%dma_start3A_256 : memref<8xi32, #tpu.memory_space<vmem>>) semaphore(%arg14 : memref<!tpu.dma_semaphore, #tpu.memory_space<semaphore_mem>>)
      } else {
      }
      %mul3A_160 = arith.constant 136 : i32
      %mul3A_161 = arith.muli %add3A, %mul3A_160 : i32
      %mul3A_162 = arith.constant 8 : i32
      %mul3A_163 = arith.muli %add3A_136, %mul3A_162 : i32
      %add3A_164 = arith.addi %mul3A_161, %mul3A_163 : i32
      %dma_start3A_165 = arith.constant 0 : i32
      %dma_start3A_166 = tpu.memref_slice %arg5[%add3A_164, %dma_start3A_165] : memref<4352x1088xf32, #tpu.memory_space<hbm>> -> memref<8x1088xf32, #tpu.memory_space<hbm>>
      %dma_start3A_167 = arith.constant 0 : i32
      %dma_start3A_168 = tpu.memref_slice %arg5[%add3A_164, %dma_start3A_167] : memref<4352x1088xf32, #tpu.memory_space<hbm>> -> memref<8x1088xf32, #tpu.memory_space<hbm>>
      tpu.enqueue_dma source(%arg11 : memref<8x1088xf32, #tpu.memory_space<vmem>>) target(%dma_start3A_168 : memref<8x1088xf32, #tpu.memory_space<hbm>>) target_semaphore(%arg17 : memref<!tpu.dma_semaphore, #tpu.memory_space<semaphore_mem>>)
      %mul3A_169 = arith.constant 3 : i32
      %mul3A_170 = arith.muli %mul3A_169, %scan3A_132 : i32
      %add3A_171 = arith.constant 1 : i32
      %add3A_172 = arith.addi %mul3A_170, %add3A_171 : i32
      %gt3A_173 = arith.constant 0 : i32
      %gt3A_174 = arith.cmpi sgt, %scan3A_132, %gt3A_173 : i32
      %convert_element_type3A_175 = arith.extui %gt3A_174 : i1 to i32
      %cond3A_176 = arith.constant 0 : i32
      %cond3A_177 = arith.cmpi ne, %convert_element_type3A_175, %cond3A_176 : i32
      scf.if %cond3A_177 {
        %sub3A_249 = arith.constant 3 : i32
        %sub3A_250 = arith.subi %add3A_172, %sub3A_249 : i32
        %mul3A_251 = arith.constant 136 : i32
        %mul3A_252 = arith.muli %add3A, %mul3A_251 : i32
        %mul3A_253 = arith.constant 8 : i32
        %mul3A_254 = arith.muli %sub3A_250, %mul3A_253 : i32
        %add3A_255 = arith.addi %mul3A_252, %mul3A_254 : i32
        %dma_wait3A_256 = arith.constant 0 : i32
        %dma_wait3A_257 = tpu.memref_slice %arg5[%add3A_255, %dma_wait3A_256] : memref<4352x1088xf32, #tpu.memory_space<hbm>> -> memref<8x1088xf32, #tpu.memory_space<hbm>>
        %dma_wait3A_258 = arith.constant 0 : i32
        %dma_wait3A_259 = tpu.memref_slice %arg5[%add3A_255, %dma_wait3A_258] : memref<4352x1088xf32, #tpu.memory_space<hbm>> -> memref<8x1088xf32, #tpu.memory_space<hbm>>
        tpu.wait_dma2 semaphore(%arg18 : memref<!tpu.dma_semaphore, #tpu.memory_space<semaphore_mem>>) src(%arg12 : memref<8x1088xf32, #tpu.memory_space<vmem>>) dst(%dma_wait3A_259 : memref<8x1088xf32, #tpu.memory_space<hbm>>)
      } else {
      }
      %mul3A_178 = arith.constant 136 : i32
      %mul3A_179 = arith.muli %sub3A_19, %mul3A_178 : i32
      %mul3A_180 = arith.constant 8 : i32
      %mul3A_181 = arith.muli %add3A_172, %mul3A_180 : i32
      %add3A_182 = arith.addi %mul3A_179, %mul3A_181 : i32
      %dma_wait3A_183 = tpu.memref_slice %arg7[%add3A_182] : memref<1088xi32, #tpu.memory_space<vmem>> -> memref<8xi32, #tpu.memory_space<vmem>>
      %dma_wait3A_184 = arith.constant 0 : i32
      %dma_wait3A_185 = arith.constant 0 : i32
      %dma_wait3A_186 = tpu.memref_slice %arg2[%dma_wait3A_184, %dma_wait3A_185] : memref<8192x2048xf32, #tpu.memory_space<hbm>> -> memref<8192x2048xf32, #tpu.memory_space<hbm>>
      tpu.wait_indirect_dma semaphore(%arg15 : memref<!tpu.dma_semaphore, #tpu.memory_space<semaphore_mem>>) src(%dma_wait3A_186 : memref<8192x2048xf32, #tpu.memory_space<hbm>>) dst(%arg9 : memref<8x2048xf32, #tpu.memory_space<vmem>>)
      %scan3A_187 = arith.constant 0 : i32
      %scan3A_188 = arith.constant 0 : i32
      %scan3A_189 = arith.constant 68 : i32
      %scan3A_190 = arith.addi %scan3A_188, %scan3A_189 : i32
      %scan3A_191 = arith.constant 1 : i32
      scf.for %scan3A_249 = %scan3A_188 to %scan3A_190 step %scan3A_191  : i32 {
        %mul3A_250 = arith.constant 16 : i32
        %mul3A_251 = arith.muli %scan3A_249, %mul3A_250 : i32
        %get3A = arith.index_cast %mul3A_251 : i32 to index
        %get3A_252 = tpu.vector_load %arg6[%get3A] {strides = array<i32>} : memref<1088xi32, #tpu.memory_space<vmem>>, vector<16xi32>,
        %broadcast_in_dim3A = arith.constant 0 : i32
        %broadcast_in_dim3A_253 = vector.broadcast %broadcast_in_dim3A : i32 to vector<16xi32>
        %gather3A = tpu.vector_load_idx %arg9[%broadcast_in_dim3A_253, %get3A_252] : memref<8x2048xf32, #tpu.memory_space<vmem>>[vector<16xi32>, vector<16xi32>], vector<16xf32>,
        %broadcast_in_dim3A_254 = arith.constant 1 : i32
        %broadcast_in_dim3A_255 = vector.broadcast %broadcast_in_dim3A_254 : i32 to vector<16xi32>
        %gather3A_256 = tpu.vector_load_idx %arg9[%broadcast_in_dim3A_255, %get3A_252] : memref<8x2048xf32, #tpu.memory_space<vmem>>[vector<16xi32>, vector<16xi32>], vector<16xf32>,
        %broadcast_in_dim3A_257 = arith.constant 2 : i32
        %broadcast_in_dim3A_258 = vector.broadcast %broadcast_in_dim3A_257 : i32 to vector<16xi32>
        %gather3A_259 = tpu.vector_load_idx %arg9[%broadcast_in_dim3A_258, %get3A_252] : memref<8x2048xf32, #tpu.memory_space<vmem>>[vector<16xi32>, vector<16xi32>], vector<16xf32>,
        %broadcast_in_dim3A_260 = arith.constant 3 : i32
        %broadcast_in_dim3A_261 = vector.broadcast %broadcast_in_dim3A_260 : i32 to vector<16xi32>
        %gather3A_262 = tpu.vector_load_idx %arg9[%broadcast_in_dim3A_261, %get3A_252] : memref<8x2048xf32, #tpu.memory_space<vmem>>[vector<16xi32>, vector<16xi32>], vector<16xf32>,
        %broadcast_in_dim3A_263 = arith.constant 4 : i32
        %broadcast_in_dim3A_264 = vector.broadcast %broadcast_in_dim3A_263 : i32 to vector<16xi32>
        %gather3A_265 = tpu.vector_load_idx %arg9[%broadcast_in_dim3A_264, %get3A_252] : memref<8x2048xf32, #tpu.memory_space<vmem>>[vector<16xi32>, vector<16xi32>], vector<16xf32>,
        %broadcast_in_dim3A_266 = arith.constant 5 : i32
        %broadcast_in_dim3A_267 = vector.broadcast %broadcast_in_dim3A_266 : i32 to vector<16xi32>
        %gather3A_268 = tpu.vector_load_idx %arg9[%broadcast_in_dim3A_267, %get3A_252] : memref<8x2048xf32, #tpu.memory_space<vmem>>[vector<16xi32>, vector<16xi32>], vector<16xf32>,
        %broadcast_in_dim3A_269 = arith.constant 6 : i32
        %broadcast_in_dim3A_270 = vector.broadcast %broadcast_in_dim3A_269 : i32 to vector<16xi32>
        %gather3A_271 = tpu.vector_load_idx %arg9[%broadcast_in_dim3A_270, %get3A_252] : memref<8x2048xf32, #tpu.memory_space<vmem>>[vector<16xi32>, vector<16xi32>], vector<16xf32>,
        %broadcast_in_dim3A_272 = arith.constant 7 : i32
        %broadcast_in_dim3A_273 = vector.broadcast %broadcast_in_dim3A_272 : i32 to vector<16xi32>
        %gather3A_274 = tpu.vector_load_idx %arg9[%broadcast_in_dim3A_273, %get3A_252] : memref<8x2048xf32, #tpu.memory_space<vmem>>[vector<16xi32>, vector<16xi32>], vector<16xf32>,
        %mul3A_275 = arith.constant 16 : i32
        %mul3A_276 = arith.muli %scan3A_249, %mul3A_275 : i32
        %swap3A = arith.constant 0 : i32
        %swap3A_277 = arith.index_cast %swap3A : i32 to index
        %swap3A_278 = arith.index_cast %mul3A_276 : i32 to index
        %swap3A_279 = tpu.vector_load %arg12[%swap3A_277, %swap3A_278] {strides = array<i32>} : memref<8x1088xf32, #tpu.memory_space<vmem>>, vector<16xf32>,
        tpu.vector_store %arg12[%swap3A_277, %swap3A_278], %gather3A {strides = array<i32>} : memref<8x1088xf32, #tpu.memory_space<vmem>>, vector<16xf32>,
        %mul3A_280 = arith.constant 16 : i32
        %mul3A_281 = arith.muli %scan3A_249, %mul3A_280 : i32
        %swap3A_282 = arith.constant 1 : i32
        %swap3A_283 = arith.index_cast %swap3A_282 : i32 to index
        %swap3A_284 = arith.index_cast %mul3A_281 : i32 to index
        %swap3A_285 = tpu.vector_load %arg12[%swap3A_283, %swap3A_284] {strides = array<i32>} : memref<8x1088xf32, #tpu.memory_space<vmem>>, vector<16xf32>,
        tpu.vector_store %arg12[%swap3A_283, %swap3A_284], %gather3A_256 {strides = array<i32>} : memref<8x1088xf32, #tpu.memory_space<vmem>>, vector<16xf32>,
        %mul3A_286 = arith.constant 16 : i32
        %mul3A_287 = arith.muli %scan3A_249, %mul3A_286 : i32
        %swap3A_288 = arith.constant 2 : i32
        %swap3A_289 = arith.index_cast %swap3A_288 : i32 to index
        %swap3A_290 = arith.index_cast %mul3A_287 : i32 to index
        %swap3A_291 = tpu.vector_load %arg12[%swap3A_289, %swap3A_290] {strides = array<i32>} : memref<8x1088xf32, #tpu.memory_space<vmem>>, vector<16xf32>,
        tpu.vector_store %arg12[%swap3A_289, %swap3A_290], %gather3A_259 {strides = array<i32>} : memref<8x1088xf32, #tpu.memory_space<vmem>>, vector<16xf32>,
        %mul3A_292 = arith.constant 16 : i32
        %mul3A_293 = arith.muli %scan3A_249, %mul3A_292 : i32
        %swap3A_294 = arith.constant 3 : i32
        %swap3A_295 = arith.index_cast %swap3A_294 : i32 to index
        %swap3A_296 = arith.index_cast %mul3A_293 : i32 to index
        %swap3A_297 = tpu.vector_load %arg12[%swap3A_295, %swap3A_296] {strides = array<i32>} : memref<8x1088xf32, #tpu.memory_space<vmem>>, vector<16xf32>,
        tpu.vector_store %arg12[%swap3A_295, %swap3A_296], %gather3A_262 {strides = array<i32>} : memref<8x1088xf32, #tpu.memory_space<vmem>>, vector<16xf32>,
        %mul3A_298 = arith.constant 16 : i32
        %mul3A_299 = arith.muli %scan3A_249, %mul3A_298 : i32
        %swap3A_300 = arith.constant 4 : i32
        %swap3A_301 = arith.index_cast %swap3A_300 : i32 to index
        %swap3A_302 = arith.index_cast %mul3A_299 : i32 to index
        %swap3A_303 = tpu.vector_load %arg12[%swap3A_301, %swap3A_302] {strides = array<i32>} : memref<8x1088xf32, #tpu.memory_space<vmem>>, vector<16xf32>,
        tpu.vector_store %arg12[%swap3A_301, %swap3A_302], %gather3A_265 {strides = array<i32>} : memref<8x1088xf32, #tpu.memory_space<vmem>>, vector<16xf32>,
        %mul3A_304 = arith.constant 16 : i32
        %mul3A_305 = arith.muli %scan3A_249, %mul3A_304 : i32
        %swap3A_306 = arith.constant 5 : i32
        %swap3A_307 = arith.index_cast %swap3A_306 : i32 to index
        %swap3A_308 = arith.index_cast %mul3A_305 : i32 to index
        %swap3A_309 = tpu.vector_load %arg12[%swap3A_307, %swap3A_308] {strides = array<i32>} : memref<8x1088xf32, #tpu.memory_space<vmem>>, vector<16xf32>,
        tpu.vector_store %arg12[%swap3A_307, %swap3A_308], %gather3A_268 {strides = array<i32>} : memref<8x1088xf32, #tpu.memory_space<vmem>>, vector<16xf32>,
        %mul3A_310 = arith.constant 16 : i32
        %mul3A_311 = arith.muli %scan3A_249, %mul3A_310 : i32
        %swap3A_312 = arith.constant 6 : i32
        %swap3A_313 = arith.index_cast %swap3A_312 : i32 to index
        %swap3A_314 = arith.index_cast %mul3A_311 : i32 to index
        %swap3A_315 = tpu.vector_load %arg12[%swap3A_313, %swap3A_314] {strides = array<i32>} : memref<8x1088xf32, #tpu.memory_space<vmem>>, vector<16xf32>,
        tpu.vector_store %arg12[%swap3A_313, %swap3A_314], %gather3A_271 {strides = array<i32>} : memref<8x1088xf32, #tpu.memory_space<vmem>>, vector<16xf32>,
        %mul3A_316 = arith.constant 16 : i32
        %mul3A_317 = arith.muli %scan3A_249, %mul3A_316 : i32
        %swap3A_318 = arith.constant 7 : i32
        %swap3A_319 = arith.index_cast %swap3A_318 : i32 to index
        %swap3A_320 = arith.index_cast %mul3A_317 : i32 to index
        %swap3A_321 = tpu.vector_load %arg12[%swap3A_319, %swap3A_320] {strides = array<i32>} : memref<8x1088xf32, #tpu.memory_space<vmem>>, vector<16xf32>,
        tpu.vector_store %arg12[%swap3A_319, %swap3A_320], %gather3A_274 {strides = array<i32>} : memref<8x1088xf32, #tpu.memory_space<vmem>>, vector<16xf32>,
      }
      %scan3A_192 = arith.constant 68 : i32
      %add3A_193 = arith.constant 3 : i32
      %add3A_194 = arith.addi %add3A_172, %add3A_193 : i32
      %lt3A_195 = arith.constant 17 : i32
      %lt3A_196 = arith.cmpi slt, %add3A_194, %lt3A_195 : i32
      %convert_element_type3A_197 = arith.extui %lt3A_196 : i1 to i32
      %cond3A_198 = arith.constant 0 : i32
      %cond3A_199 = arith.cmpi ne, %convert_element_type3A_197, %cond3A_198 : i32
      scf.if %cond3A_199 {
        %add3A_249 = arith.constant 3 : i32
        %add3A_250 = arith.addi %add3A_172, %add3A_249 : i32
        %mul3A_251 = arith.constant 136 : i32
        %mul3A_252 = arith.muli %sub3A_19, %mul3A_251 : i32
        %mul3A_253 = arith.constant 8 : i32
        %mul3A_254 = arith.muli %add3A_250, %mul3A_253 : i32
        %add3A_255 = arith.addi %mul3A_252, %mul3A_254 : i32
        %dma_start3A_256 = tpu.memref_slice %arg7[%add3A_255] : memref<1088xi32, #tpu.memory_space<vmem>> -> memref<8xi32, #tpu.memory_space<vmem>>
        %dma_start3A_257 = arith.constant 0 : i32
        %dma_start3A_258 = arith.constant 0 : i32
        %dma_start3A_259 = tpu.memref_slice %arg2[%dma_start3A_257, %dma_start3A_258] : memref<8192x2048xf32, #tpu.memory_space<hbm>> -> memref<8192x2048xf32, #tpu.memory_space<hbm>>
        tpu.enqueue_indirect_dma source(%dma_start3A_259 : memref<8192x2048xf32, #tpu.memory_space<hbm>>) target(%arg9 : memref<8x2048xf32, #tpu.memory_space<vmem>>) offsets(%dma_start3A_256 : memref<8xi32, #tpu.memory_space<vmem>>) semaphore(%arg15 : memref<!tpu.dma_semaphore, #tpu.memory_space<semaphore_mem>>)
      } else {
      }
      %mul3A_200 = arith.constant 136 : i32
      %mul3A_201 = arith.muli %add3A, %mul3A_200 : i32
      %mul3A_202 = arith.constant 8 : i32
      %mul3A_203 = arith.muli %add3A_172, %mul3A_202 : i32
      %add3A_204 = arith.addi %mul3A_201, %mul3A_203 : i32
      %dma_start3A_205 = arith.constant 0 : i32
      %dma_start3A_206 = tpu.memref_slice %arg5[%add3A_204, %dma_start3A_205] : memref<4352x1088xf32, #tpu.memory_space<hbm>> -> memref<8x1088xf32, #tpu.memory_space<hbm>>
      %dma_start3A_207 = arith.constant 0 : i32
      %dma_start3A_208 = tpu.memref_slice %arg5[%add3A_204, %dma_start3A_207] : memref<4352x1088xf32, #tpu.memory_space<hbm>> -> memref<8x1088xf32, #tpu.memory_space<hbm>>
      tpu.enqueue_dma source(%arg12 : memref<8x1088xf32, #tpu.memory_space<vmem>>) target(%dma_start3A_208 : memref<8x1088xf32, #tpu.memory_space<hbm>>) target_semaphore(%arg18 : memref<!tpu.dma_semaphore, #tpu.memory_space<semaphore_mem>>)
      %mul3A_209 = arith.constant 3 : i32
      %mul3A_210 = arith.muli %mul3A_209, %scan3A_132 : i32
      %add3A_211 = arith.constant 2 : i32
      %add3A_212 = arith.addi %mul3A_210, %add3A_211 : i32
      %gt3A_213 = arith.constant 0 : i32
      %gt3A_214 = arith.cmpi sgt, %scan3A_132, %gt3A_213 : i32
      %convert_element_type3A_215 = arith.extui %gt3A_214 : i1 to i32
      %cond3A_216 = arith.constant 0 : i32
      %cond3A_217 = arith.cmpi ne, %convert_element_type3A_215, %cond3A_216 : i32
      scf.if %cond3A_217 {
        %sub3A_249 = arith.constant 3 : i32
        %sub3A_250 = arith.subi %add3A_212, %sub3A_249 : i32
        %mul3A_251 = arith.constant 136 : i32
        %mul3A_252 = arith.muli %add3A, %mul3A_251 : i32
        %mul3A_253 = arith.constant 8 : i32
        %mul3A_254 = arith.muli %sub3A_250, %mul3A_253 : i32
        %add3A_255 = arith.addi %mul3A_252, %mul3A_254 : i32
        %dma_wait3A_256 = arith.constant 0 : i32
        %dma_wait3A_257 = tpu.memref_slice %arg5[%add3A_255, %dma_wait3A_256] : memref<4352x1088xf32, #tpu.memory_space<hbm>> -> memref<8x1088xf32, #tpu.memory_space<hbm>>
        %dma_wait3A_258 = arith.constant 0 : i32
        %dma_wait3A_259 = tpu.memref_slice %arg5[%add3A_255, %dma_wait3A_258] : memref<4352x1088xf32, #tpu.memory_space<hbm>> -> memref<8x1088xf32, #tpu.memory_space<hbm>>
        tpu.wait_dma2 semaphore(%arg19 : memref<!tpu.dma_semaphore, #tpu.memory_space<semaphore_mem>>) src(%arg13 : memref<8x1088xf32, #tpu.memory_space<vmem>>) dst(%dma_wait3A_259 : memref<8x1088xf32, #tpu.memory_space<hbm>>)
      } else {
      }
      %mul3A_218 = arith.constant 136 : i32
      %mul3A_219 = arith.muli %sub3A_19, %mul3A_218 : i32
      %mul3A_220 = arith.constant 8 : i32
      %mul3A_221 = arith.muli %add3A_212, %mul3A_220 : i32
      %add3A_222 = arith.addi %mul3A_219, %mul3A_221 : i32
      %dma_wait3A_223 = tpu.memref_slice %arg7[%add3A_222] : memref<1088xi32, #tpu.memory_space<vmem>> -> memref<8xi32, #tpu.memory_space<vmem>>
      %dma_wait3A_224 = arith.constant 0 : i32
      %dma_wait3A_225 = arith.constant 0 : i32
      %dma_wait3A_226 = tpu.memref_slice %arg2[%dma_wait3A_224, %dma_wait3A_225] : memref<8192x2048xf32, #tpu.memory_space<hbm>> -> memref<8192x2048xf32, #tpu.memory_space<hbm>>
      tpu.wait_indirect_dma semaphore(%arg16 : memref<!tpu.dma_semaphore, #tpu.memory_space<semaphore_mem>>) src(%dma_wait3A_226 : memref<8192x2048xf32, #tpu.memory_space<hbm>>) dst(%arg10 : memref<8x2048xf32, #tpu.memory_space<vmem>>)
      %scan3A_227 = arith.constant 0 : i32
      %scan3A_228 = arith.constant 0 : i32
      %scan3A_229 = arith.constant 68 : i32
      %scan3A_230 = arith.addi %scan3A_228, %scan3A_229 : i32
      %scan3A_231 = arith.constant 1 : i32
      scf.for %scan3A_249 = %scan3A_228 to %scan3A_230 step %scan3A_231  : i32 {
        %mul3A_250 = arith.constant 16 : i32
        %mul3A_251 = arith.muli %scan3A_249, %mul3A_250 : i32
        %get3A = arith.index_cast %mul3A_251 : i32 to index
        %get3A_252 = tpu.vector_load %arg6[%get3A] {strides = array<i32>} : memref<1088xi32, #tpu.memory_space<vmem>>, vector<16xi32>,
        %broadcast_in_dim3A = arith.constant 0 : i32
        %broadcast_in_dim3A_253 = vector.broadcast %broadcast_in_dim3A : i32 to vector<16xi32>
        %gather3A = tpu.vector_load_idx %arg10[%broadcast_in_dim3A_253, %get3A_252] : memref<8x2048xf32, #tpu.memory_space<vmem>>[vector<16xi32>, vector<16xi32>], vector<16xf32>,
        %broadcast_in_dim3A_254 = arith.constant 1 : i32
        %broadcast_in_dim3A_255 = vector.broadcast %broadcast_in_dim3A_254 : i32 to vector<16xi32>
        %gather3A_256 = tpu.vector_load_idx %arg10[%broadcast_in_dim3A_255, %get3A_252] : memref<8x2048xf32, #tpu.memory_space<vmem>>[vector<16xi32>, vector<16xi32>], vector<16xf32>,
        %broadcast_in_dim3A_257 = arith.constant 2 : i32
        %broadcast_in_dim3A_258 = vector.broadcast %broadcast_in_dim3A_257 : i32 to vector<16xi32>
        %gather3A_259 = tpu.vector_load_idx %arg10[%broadcast_in_dim3A_258, %get3A_252] : memref<8x2048xf32, #tpu.memory_space<vmem>>[vector<16xi32>, vector<16xi32>], vector<16xf32>,
        %broadcast_in_dim3A_260 = arith.constant 3 : i32
        %broadcast_in_dim3A_261 = vector.broadcast %broadcast_in_dim3A_260 : i32 to vector<16xi32>
        %gather3A_262 = tpu.vector_load_idx %arg10[%broadcast_in_dim3A_261, %get3A_252] : memref<8x2048xf32, #tpu.memory_space<vmem>>[vector<16xi32>, vector<16xi32>], vector<16xf32>,
        %broadcast_in_dim3A_263 = arith.constant 4 : i32
        %broadcast_in_dim3A_264 = vector.broadcast %broadcast_in_dim3A_263 : i32 to vector<16xi32>
        %gather3A_265 = tpu.vector_load_idx %arg10[%broadcast_in_dim3A_264, %get3A_252] : memref<8x2048xf32, #tpu.memory_space<vmem>>[vector<16xi32>, vector<16xi32>], vector<16xf32>,
        %broadcast_in_dim3A_266 = arith.constant 5 : i32
        %broadcast_in_dim3A_267 = vector.broadcast %broadcast_in_dim3A_266 : i32 to vector<16xi32>
        %gather3A_268 = tpu.vector_load_idx %arg10[%broadcast_in_dim3A_267, %get3A_252] : memref<8x2048xf32, #tpu.memory_space<vmem>>[vector<16xi32>, vector<16xi32>], vector<16xf32>,
        %broadcast_in_dim3A_269 = arith.constant 6 : i32
        %broadcast_in_dim3A_270 = vector.broadcast %broadcast_in_dim3A_269 : i32 to vector<16xi32>
        %gather3A_271 = tpu.vector_load_idx %arg10[%broadcast_in_dim3A_270, %get3A_252] : memref<8x2048xf32, #tpu.memory_space<vmem>>[vector<16xi32>, vector<16xi32>], vector<16xf32>,
        %broadcast_in_dim3A_272 = arith.constant 7 : i32
        %broadcast_in_dim3A_273 = vector.broadcast %broadcast_in_dim3A_272 : i32 to vector<16xi32>
        %gather3A_274 = tpu.vector_load_idx %arg10[%broadcast_in_dim3A_273, %get3A_252] : memref<8x2048xf32, #tpu.memory_space<vmem>>[vector<16xi32>, vector<16xi32>], vector<16xf32>,
        %mul3A_275 = arith.constant 16 : i32
        %mul3A_276 = arith.muli %scan3A_249, %mul3A_275 : i32
        %swap3A = arith.constant 0 : i32
        %swap3A_277 = arith.index_cast %swap3A : i32 to index
        %swap3A_278 = arith.index_cast %mul3A_276 : i32 to index
        %swap3A_279 = tpu.vector_load %arg13[%swap3A_277, %swap3A_278] {strides = array<i32>} : memref<8x1088xf32, #tpu.memory_space<vmem>>, vector<16xf32>,
        tpu.vector_store %arg13[%swap3A_277, %swap3A_278], %gather3A {strides = array<i32>} : memref<8x1088xf32, #tpu.memory_space<vmem>>, vector<16xf32>,
        %mul3A_280 = arith.constant 16 : i32
        %mul3A_281 = arith.muli %scan3A_249, %mul3A_280 : i32
        %swap3A_282 = arith.constant 1 : i32
        %swap3A_283 = arith.index_cast %swap3A_282 : i32 to index
        %swap3A_284 = arith.index_cast %mul3A_281 : i32 to index
        %swap3A_285 = tpu.vector_load %arg13[%swap3A_283, %swap3A_284] {strides = array<i32>} : memref<8x1088xf32, #tpu.memory_space<vmem>>, vector<16xf32>,
        tpu.vector_store %arg13[%swap3A_283, %swap3A_284], %gather3A_256 {strides = array<i32>} : memref<8x1088xf32, #tpu.memory_space<vmem>>, vector<16xf32>,
        %mul3A_286 = arith.constant 16 : i32
        %mul3A_287 = arith.muli %scan3A_249, %mul3A_286 : i32
        %swap3A_288 = arith.constant 2 : i32
        %swap3A_289 = arith.index_cast %swap3A_288 : i32 to index
        %swap3A_290 = arith.index_cast %mul3A_287 : i32 to index
        %swap3A_291 = tpu.vector_load %arg13[%swap3A_289, %swap3A_290] {strides = array<i32>} : memref<8x1088xf32, #tpu.memory_space<vmem>>, vector<16xf32>,
        tpu.vector_store %arg13[%swap3A_289, %swap3A_290], %gather3A_259 {strides = array<i32>} : memref<8x1088xf32, #tpu.memory_space<vmem>>, vector<16xf32>,
        %mul3A_292 = arith.constant 16 : i32
        %mul3A_293 = arith.muli %scan3A_249, %mul3A_292 : i32
        %swap3A_294 = arith.constant 3 : i32
        %swap3A_295 = arith.index_cast %swap3A_294 : i32 to index
        %swap3A_296 = arith.index_cast %mul3A_293 : i32 to index
        %swap3A_297 = tpu.vector_load %arg13[%swap3A_295, %swap3A_296] {strides = array<i32>} : memref<8x1088xf32, #tpu.memory_space<vmem>>, vector<16xf32>,
        tpu.vector_store %arg13[%swap3A_295, %swap3A_296], %gather3A_262 {strides = array<i32>} : memref<8x1088xf32, #tpu.memory_space<vmem>>, vector<16xf32>,
        %mul3A_298 = arith.constant 16 : i32
        %mul3A_299 = arith.muli %scan3A_249, %mul3A_298 : i32
        %swap3A_300 = arith.constant 4 : i32
        %swap3A_301 = arith.index_cast %swap3A_300 : i32 to index
        %swap3A_302 = arith.index_cast %mul3A_299 : i32 to index
        %swap3A_303 = tpu.vector_load %arg13[%swap3A_301, %swap3A_302] {strides = array<i32>} : memref<8x1088xf32, #tpu.memory_space<vmem>>, vector<16xf32>,
        tpu.vector_store %arg13[%swap3A_301, %swap3A_302], %gather3A_265 {strides = array<i32>} : memref<8x1088xf32, #tpu.memory_space<vmem>>, vector<16xf32>,
        %mul3A_304 = arith.constant 16 : i32
        %mul3A_305 = arith.muli %scan3A_249, %mul3A_304 : i32
        %swap3A_306 = arith.constant 5 : i32
        %swap3A_307 = arith.index_cast %swap3A_306 : i32 to index
        %swap3A_308 = arith.index_cast %mul3A_305 : i32 to index
        %swap3A_309 = tpu.vector_load %arg13[%swap3A_307, %swap3A_308] {strides = array<i32>} : memref<8x1088xf32, #tpu.memory_space<vmem>>, vector<16xf32>,
        tpu.vector_store %arg13[%swap3A_307, %swap3A_308], %gather3A_268 {strides = array<i32>} : memref<8x1088xf32, #tpu.memory_space<vmem>>, vector<16xf32>,
        %mul3A_310 = arith.constant 16 : i32
        %mul3A_311 = arith.muli %scan3A_249, %mul3A_310 : i32
        %swap3A_312 = arith.constant 6 : i32
        %swap3A_313 = arith.index_cast %swap3A_312 : i32 to index
        %swap3A_314 = arith.index_cast %mul3A_311 : i32 to index
        %swap3A_315 = tpu.vector_load %arg13[%swap3A_313, %swap3A_314] {strides = array<i32>} : memref<8x1088xf32, #tpu.memory_space<vmem>>, vector<16xf32>,
        tpu.vector_store %arg13[%swap3A_313, %swap3A_314], %gather3A_271 {strides = array<i32>} : memref<8x1088xf32, #tpu.memory_space<vmem>>, vector<16xf32>,
        %mul3A_316 = arith.constant 16 : i32
        %mul3A_317 = arith.muli %scan3A_249, %mul3A_316 : i32
        %swap3A_318 = arith.constant 7 : i32
        %swap3A_319 = arith.index_cast %swap3A_318 : i32 to index
        %swap3A_320 = arith.index_cast %mul3A_317 : i32 to index
        %swap3A_321 = tpu.vector_load %arg13[%swap3A_319, %swap3A_320] {strides = array<i32>} : memref<8x1088xf32, #tpu.memory_space<vmem>>, vector<16xf32>,
        tpu.vector_store %arg13[%swap3A_319, %swap3A_320], %gather3A_274 {strides = array<i32>} : memref<8x1088xf32, #tpu.memory_space<vmem>>, vector<16xf32>,
      }
      %scan3A_232 = arith.constant 68 : i32
      %add3A_233 = arith.constant 3 : i32
      %add3A_234 = arith.addi %add3A_212, %add3A_233 : i32
      %lt3A_235 = arith.constant 17 : i32
      %lt3A_236 = arith.cmpi slt, %add3A_234, %lt3A_235 : i32
      %convert_element_type3A_237 = arith.extui %lt3A_236 : i1 to i32
      %cond3A_238 = arith.constant 0 : i32
      %cond3A_239 = arith.cmpi ne, %convert_element_type3A_237, %cond3A_238 : i32
      scf.if %cond3A_239 {
        %add3A_249 = arith.constant 3 : i32
        %add3A_250 = arith.addi %add3A_212, %add3A_249 : i32
        %mul3A_251 = arith.constant 136 : i32
        %mul3A_252 = arith.muli %sub3A_19, %mul3A_251 : i32
        %mul3A_253 = arith.constant 8 : i32
        %mul3A_254 = arith.muli %add3A_250, %mul3A_253 : i32
        %add3A_255 = arith.addi %mul3A_252, %mul3A_254 : i32
        %dma_start3A_256 = tpu.memref_slice %arg7[%add3A_255] : memref<1088xi32, #tpu.memory_space<vmem>> -> memref<8xi32, #tpu.memory_space<vmem>>
        %dma_start3A_257 = arith.constant 0 : i32
        %dma_start3A_258 = arith.constant 0 : i32
        %dma_start3A_259 = tpu.memref_slice %arg2[%dma_start3A_257, %dma_start3A_258] : memref<8192x2048xf32, #tpu.memory_space<hbm>> -> memref<8192x2048xf32, #tpu.memory_space<hbm>>
        tpu.enqueue_indirect_dma source(%dma_start3A_259 : memref<8192x2048xf32, #tpu.memory_space<hbm>>) target(%arg10 : memref<8x2048xf32, #tpu.memory_space<vmem>>) offsets(%dma_start3A_256 : memref<8xi32, #tpu.memory_space<vmem>>) semaphore(%arg16 : memref<!tpu.dma_semaphore, #tpu.memory_space<semaphore_mem>>)
      } else {
      }
      %mul3A_240 = arith.constant 136 : i32
      %mul3A_241 = arith.muli %add3A, %mul3A_240 : i32
      %mul3A_242 = arith.constant 8 : i32
      %mul3A_243 = arith.muli %add3A_212, %mul3A_242 : i32
      %add3A_244 = arith.addi %mul3A_241, %mul3A_243 : i32
      %dma_start3A_245 = arith.constant 0 : i32
      %dma_start3A_246 = tpu.memref_slice %arg5[%add3A_244, %dma_start3A_245] : memref<4352x1088xf32, #tpu.memory_space<hbm>> -> memref<8x1088xf32, #tpu.memory_space<hbm>>
      %dma_start3A_247 = arith.constant 0 : i32
      %dma_start3A_248 = tpu.memref_slice %arg5[%add3A_244, %dma_start3A_247] : memref<4352x1088xf32, #tpu.memory_space<hbm>> -> memref<8x1088xf32, #tpu.memory_space<hbm>>
      tpu.enqueue_dma source(%arg13 : memref<8x1088xf32, #tpu.memory_space<vmem>>) target(%dma_start3A_248 : memref<8x1088xf32, #tpu.memory_space<hbm>>) target_semaphore(%arg19 : memref<!tpu.dma_semaphore, #tpu.memory_space<semaphore_mem>>)
    }
    %scan3A_48 = arith.constant 5 : i32
    %mul3A_49 = arith.constant 136 : i32
    %mul3A_50 = arith.muli %add3A, %mul3A_49 : i32
    %add3A_51 = arith.constant 96 : i32
    %add3A_52 = arith.addi %mul3A_50, %add3A_51 : i32
    %dma_wait3A = arith.constant 0 : i32
    %dma_wait3A_53 = tpu.memref_slice %arg5[%add3A_52, %dma_wait3A] : memref<4352x1088xf32, #tpu.memory_space<hbm>> -> memref<8x1088xf32, #tpu.memory_space<hbm>>
    %dma_wait3A_54 = arith.constant 0 : i32
    %dma_wait3A_55 = tpu.memref_slice %arg5[%add3A_52, %dma_wait3A_54] : memref<4352x1088xf32, #tpu.memory_space<hbm>> -> memref<8x1088xf32, #tpu.memory_space<hbm>>
    tpu.wait_dma2 semaphore(%arg17 : memref<!tpu.dma_semaphore, #tpu.memory_space<semaphore_mem>>) src(%arg11 : memref<8x1088xf32, #tpu.memory_space<vmem>>) dst(%dma_wait3A_55 : memref<8x1088xf32, #tpu.memory_space<hbm>>)
    %mul3A_56 = arith.constant 136 : i32
    %mul3A_57 = arith.muli %sub3A_19, %mul3A_56 : i32
    %add3A_58 = arith.constant 120 : i32
    %add3A_59 = arith.addi %mul3A_57, %add3A_58 : i32
    %dma_wait3A_60 = tpu.memref_slice %arg7[%add3A_59] : memref<1088xi32, #tpu.memory_space<vmem>> -> memref<8xi32, #tpu.memory_space<vmem>>
    %dma_wait3A_61 = arith.constant 0 : i32
    %dma_wait3A_62 = arith.constant 0 : i32
    %dma_wait3A_63 = tpu.memref_slice %arg2[%dma_wait3A_61, %dma_wait3A_62] : memref<8192x2048xf32, #tpu.memory_space<hbm>> -> memref<8192x2048xf32, #tpu.memory_space<hbm>>
    tpu.wait_indirect_dma semaphore(%arg14 : memref<!tpu.dma_semaphore, #tpu.memory_space<semaphore_mem>>) src(%dma_wait3A_63 : memref<8192x2048xf32, #tpu.memory_space<hbm>>) dst(%arg8 : memref<8x2048xf32, #tpu.memory_space<vmem>>)
    %scan3A_64 = arith.constant 0 : i32
    %scan3A_65 = arith.constant 0 : i32
    %scan3A_66 = arith.constant 68 : i32
    %scan3A_67 = arith.addi %scan3A_65, %scan3A_66 : i32
    %scan3A_68 = arith.constant 1 : i32
    scf.for %scan3A_132 = %scan3A_65 to %scan3A_67 step %scan3A_68  : i32 {
      %mul3A_133 = arith.constant 16 : i32
      %mul3A_134 = arith.muli %scan3A_132, %mul3A_133 : i32
      %get3A = arith.index_cast %mul3A_134 : i32 to index
      %get3A_135 = tpu.vector_load %arg6[%get3A] {strides = array<i32>} : memref<1088xi32, #tpu.memory_space<vmem>>, vector<16xi32>,
      %broadcast_in_dim3A = arith.constant 0 : i32
      %broadcast_in_dim3A_136 = vector.broadcast %broadcast_in_dim3A : i32 to vector<16xi32>
      %gather3A = tpu.vector_load_idx %arg8[%broadcast_in_dim3A_136, %get3A_135] : memref<8x2048xf32, #tpu.memory_space<vmem>>[vector<16xi32>, vector<16xi32>], vector<16xf32>,
      %broadcast_in_dim3A_137 = arith.constant 1 : i32
      %broadcast_in_dim3A_138 = vector.broadcast %broadcast_in_dim3A_137 : i32 to vector<16xi32>
      %gather3A_139 = tpu.vector_load_idx %arg8[%broadcast_in_dim3A_138, %get3A_135] : memref<8x2048xf32, #tpu.memory_space<vmem>>[vector<16xi32>, vector<16xi32>], vector<16xf32>,
      %broadcast_in_dim3A_140 = arith.constant 2 : i32
      %broadcast_in_dim3A_141 = vector.broadcast %broadcast_in_dim3A_140 : i32 to vector<16xi32>
      %gather3A_142 = tpu.vector_load_idx %arg8[%broadcast_in_dim3A_141, %get3A_135] : memref<8x2048xf32, #tpu.memory_space<vmem>>[vector<16xi32>, vector<16xi32>], vector<16xf32>,
      %broadcast_in_dim3A_143 = arith.constant 3 : i32
      %broadcast_in_dim3A_144 = vector.broadcast %broadcast_in_dim3A_143 : i32 to vector<16xi32>
      %gather3A_145 = tpu.vector_load_idx %arg8[%broadcast_in_dim3A_144, %get3A_135] : memref<8x2048xf32, #tpu.memory_space<vmem>>[vector<16xi32>, vector<16xi32>], vector<16xf32>,
      %broadcast_in_dim3A_146 = arith.constant 4 : i32
      %broadcast_in_dim3A_147 = vector.broadcast %broadcast_in_dim3A_146 : i32 to vector<16xi32>
      %gather3A_148 = tpu.vector_load_idx %arg8[%broadcast_in_dim3A_147, %get3A_135] : memref<8x2048xf32, #tpu.memory_space<vmem>>[vector<16xi32>, vector<16xi32>], vector<16xf32>,
      %broadcast_in_dim3A_149 = arith.constant 5 : i32
      %broadcast_in_dim3A_150 = vector.broadcast %broadcast_in_dim3A_149 : i32 to vector<16xi32>
      %gather3A_151 = tpu.vector_load_idx %arg8[%broadcast_in_dim3A_150, %get3A_135] : memref<8x2048xf32, #tpu.memory_space<vmem>>[vector<16xi32>, vector<16xi32>], vector<16xf32>,
      %broadcast_in_dim3A_152 = arith.constant 6 : i32
      %broadcast_in_dim3A_153 = vector.broadcast %broadcast_in_dim3A_152 : i32 to vector<16xi32>
      %gather3A_154 = tpu.vector_load_idx %arg8[%broadcast_in_dim3A_153, %get3A_135] : memref<8x2048xf32, #tpu.memory_space<vmem>>[vector<16xi32>, vector<16xi32>], vector<16xf32>,
      %broadcast_in_dim3A_155 = arith.constant 7 : i32
      %broadcast_in_dim3A_156 = vector.broadcast %broadcast_in_dim3A_155 : i32 to vector<16xi32>
      %gather3A_157 = tpu.vector_load_idx %arg8[%broadcast_in_dim3A_156, %get3A_135] : memref<8x2048xf32, #tpu.memory_space<vmem>>[vector<16xi32>, vector<16xi32>], vector<16xf32>,
      %mul3A_158 = arith.constant 16 : i32
      %mul3A_159 = arith.muli %scan3A_132, %mul3A_158 : i32
      %swap3A = arith.constant 0 : i32
      %swap3A_160 = arith.index_cast %swap3A : i32 to index
      %swap3A_161 = arith.index_cast %mul3A_159 : i32 to index
      %swap3A_162 = tpu.vector_load %arg11[%swap3A_160, %swap3A_161] {strides = array<i32>} : memref<8x1088xf32, #tpu.memory_space<vmem>>, vector<16xf32>,
      tpu.vector_store %arg11[%swap3A_160, %swap3A_161], %gather3A {strides = array<i32>} : memref<8x1088xf32, #tpu.memory_space<vmem>>, vector<16xf32>,
      %mul3A_163 = arith.constant 16 : i32
      %mul3A_164 = arith.muli %scan3A_132, %mul3A_163 : i32
      %swap3A_165 = arith.constant 1 : i32
      %swap3A_166 = arith.index_cast %swap3A_165 : i32 to index
      %swap3A_167 = arith.index_cast %mul3A_164 : i32 to index
      %swap3A_168 = tpu.vector_load %arg11[%swap3A_166, %swap3A_167] {strides = array<i32>} : memref<8x1088xf32, #tpu.memory_space<vmem>>, vector<16xf32>,
      tpu.vector_store %arg11[%swap3A_166, %swap3A_167], %gather3A_139 {strides = array<i32>} : memref<8x1088xf32, #tpu.memory_space<vmem>>, vector<16xf32>,
      %mul3A_169 = arith.constant 16 : i32
      %mul3A_170 = arith.muli %scan3A_132, %mul3A_169 : i32
      %swap3A_171 = arith.constant 2 : i32
      %swap3A_172 = arith.index_cast %swap3A_171 : i32 to index
      %swap3A_173 = arith.index_cast %mul3A_170 : i32 to index
      %swap3A_174 = tpu.vector_load %arg11[%swap3A_172, %swap3A_173] {strides = array<i32>} : memref<8x1088xf32, #tpu.memory_space<vmem>>, vector<16xf32>,
      tpu.vector_store %arg11[%swap3A_172, %swap3A_173], %gather3A_142 {strides = array<i32>} : memref<8x1088xf32, #tpu.memory_space<vmem>>, vector<16xf32>,
      %mul3A_175 = arith.constant 16 : i32
      %mul3A_176 = arith.muli %scan3A_132, %mul3A_175 : i32
      %swap3A_177 = arith.constant 3 : i32
      %swap3A_178 = arith.index_cast %swap3A_177 : i32 to index
      %swap3A_179 = arith.index_cast %mul3A_176 : i32 to index
      %swap3A_180 = tpu.vector_load %arg11[%swap3A_178, %swap3A_179] {strides = array<i32>} : memref<8x1088xf32, #tpu.memory_space<vmem>>, vector<16xf32>,
      tpu.vector_store %arg11[%swap3A_178, %swap3A_179], %gather3A_145 {strides = array<i32>} : memref<8x1088xf32, #tpu.memory_space<vmem>>, vector<16xf32>,
      %mul3A_181 = arith.constant 16 : i32
      %mul3A_182 = arith.muli %scan3A_132, %mul3A_181 : i32
      %swap3A_183 = arith.constant 4 : i32
      %swap3A_184 = arith.index_cast %swap3A_183 : i32 to index
      %swap3A_185 = arith.index_cast %mul3A_182 : i32 to index
      %swap3A_186 = tpu.vector_load %arg11[%swap3A_184, %swap3A_185] {strides = array<i32>} : memref<8x1088xf32, #tpu.memory_space<vmem>>, vector<16xf32>,
      tpu.vector_store %arg11[%swap3A_184, %swap3A_185], %gather3A_148 {strides = array<i32>} : memref<8x1088xf32, #tpu.memory_space<vmem>>, vector<16xf32>,
      %mul3A_187 = arith.constant 16 : i32
      %mul3A_188 = arith.muli %scan3A_132, %mul3A_187 : i32
      %swap3A_189 = arith.constant 5 : i32
      %swap3A_190 = arith.index_cast %swap3A_189 : i32 to index
      %swap3A_191 = arith.index_cast %mul3A_188 : i32 to index
      %swap3A_192 = tpu.vector_load %arg11[%swap3A_190, %swap3A_191] {strides = array<i32>} : memref<8x1088xf32, #tpu.memory_space<vmem>>, vector<16xf32>,
      tpu.vector_store %arg11[%swap3A_190, %swap3A_191], %gather3A_151 {strides = array<i32>} : memref<8x1088xf32, #tpu.memory_space<vmem>>, vector<16xf32>,
      %mul3A_193 = arith.constant 16 : i32
      %mul3A_194 = arith.muli %scan3A_132, %mul3A_193 : i32
      %swap3A_195 = arith.constant 6 : i32
      %swap3A_196 = arith.index_cast %swap3A_195 : i32 to index
      %swap3A_197 = arith.index_cast %mul3A_194 : i32 to index
      %swap3A_198 = tpu.vector_load %arg11[%swap3A_196, %swap3A_197] {strides = array<i32>} : memref<8x1088xf32, #tpu.memory_space<vmem>>, vector<16xf32>,
      tpu.vector_store %arg11[%swap3A_196, %swap3A_197], %gather3A_154 {strides = array<i32>} : memref<8x1088xf32, #tpu.memory_space<vmem>>, vector<16xf32>,
      %mul3A_199 = arith.constant 16 : i32
      %mul3A_200 = arith.muli %scan3A_132, %mul3A_199 : i32
      %swap3A_201 = arith.constant 7 : i32
      %swap3A_202 = arith.index_cast %swap3A_201 : i32 to index
      %swap3A_203 = arith.index_cast %mul3A_200 : i32 to index
      %swap3A_204 = tpu.vector_load %arg11[%swap3A_202, %swap3A_203] {strides = array<i32>} : memref<8x1088xf32, #tpu.memory_space<vmem>>, vector<16xf32>,
      tpu.vector_store %arg11[%swap3A_202, %swap3A_203], %gather3A_157 {strides = array<i32>} : memref<8x1088xf32, #tpu.memory_space<vmem>>, vector<16xf32>,
    }
    %scan3A_69 = arith.constant 68 : i32
    %mul3A_70 = arith.constant 136 : i32
    %mul3A_71 = arith.muli %add3A, %mul3A_70 : i32
    %add3A_72 = arith.constant 120 : i32
    %add3A_73 = arith.addi %mul3A_71, %add3A_72 : i32
    %dma_start3A_74 = arith.constant 0 : i32
    %dma_start3A_75 = tpu.memref_slice %arg5[%add3A_73, %dma_start3A_74] : memref<4352x1088xf32, #tpu.memory_space<hbm>> -> memref<8x1088xf32, #tpu.memory_space<hbm>>
    %dma_start3A_76 = arith.constant 0 : i32
    %dma_start3A_77 = tpu.memref_slice %arg5[%add3A_73, %dma_start3A_76] : memref<4352x1088xf32, #tpu.memory_space<hbm>> -> memref<8x1088xf32, #tpu.memory_space<hbm>>
    tpu.enqueue_dma source(%arg11 : memref<8x1088xf32, #tpu.memory_space<vmem>>) target(%dma_start3A_77 : memref<8x1088xf32, #tpu.memory_space<hbm>>) target_semaphore(%arg17 : memref<!tpu.dma_semaphore, #tpu.memory_space<semaphore_mem>>)
    %mul3A_78 = arith.constant 136 : i32
    %mul3A_79 = arith.muli %add3A, %mul3A_78 : i32
    %add3A_80 = arith.constant 104 : i32
    %add3A_81 = arith.addi %mul3A_79, %add3A_80 : i32
    %dma_wait3A_82 = arith.constant 0 : i32
    %dma_wait3A_83 = tpu.memref_slice %arg5[%add3A_81, %dma_wait3A_82] : memref<4352x1088xf32, #tpu.memory_space<hbm>> -> memref<8x1088xf32, #tpu.memory_space<hbm>>
    %dma_wait3A_84 = arith.constant 0 : i32
    %dma_wait3A_85 = tpu.memref_slice %arg5[%add3A_81, %dma_wait3A_84] : memref<4352x1088xf32, #tpu.memory_space<hbm>> -> memref<8x1088xf32, #tpu.memory_space<hbm>>
    tpu.wait_dma2 semaphore(%arg18 : memref<!tpu.dma_semaphore, #tpu.memory_space<semaphore_mem>>) src(%arg12 : memref<8x1088xf32, #tpu.memory_space<vmem>>) dst(%dma_wait3A_85 : memref<8x1088xf32, #tpu.memory_space<hbm>>)
    %mul3A_86 = arith.constant 136 : i32
    %mul3A_87 = arith.muli %sub3A_19, %mul3A_86 : i32
    %add3A_88 = arith.constant 128 : i32
    %add3A_89 = arith.addi %mul3A_87, %add3A_88 : i32
    %dma_wait3A_90 = tpu.memref_slice %arg7[%add3A_89] : memref<1088xi32, #tpu.memory_space<vmem>> -> memref<8xi32, #tpu.memory_space<vmem>>
    %dma_wait3A_91 = arith.constant 0 : i32
    %dma_wait3A_92 = arith.constant 0 : i32
    %dma_wait3A_93 = tpu.memref_slice %arg2[%dma_wait3A_91, %dma_wait3A_92] : memref<8192x2048xf32, #tpu.memory_space<hbm>> -> memref<8192x2048xf32, #tpu.memory_space<hbm>>
    tpu.wait_indirect_dma semaphore(%arg15 : memref<!tpu.dma_semaphore, #tpu.memory_space<semaphore_mem>>) src(%dma_wait3A_93 : memref<8192x2048xf32, #tpu.memory_space<hbm>>) dst(%arg9 : memref<8x2048xf32, #tpu.memory_space<vmem>>)
    %scan3A_94 = arith.constant 0 : i32
    %scan3A_95 = arith.constant 0 : i32
    %scan3A_96 = arith.constant 68 : i32
    %scan3A_97 = arith.addi %scan3A_95, %scan3A_96 : i32
    %scan3A_98 = arith.constant 1 : i32
    scf.for %scan3A_132 = %scan3A_95 to %scan3A_97 step %scan3A_98  : i32 {
      %mul3A_133 = arith.constant 16 : i32
      %mul3A_134 = arith.muli %scan3A_132, %mul3A_133 : i32
      %get3A = arith.index_cast %mul3A_134 : i32 to index
      %get3A_135 = tpu.vector_load %arg6[%get3A] {strides = array<i32>} : memref<1088xi32, #tpu.memory_space<vmem>>, vector<16xi32>,
      %broadcast_in_dim3A = arith.constant 0 : i32
      %broadcast_in_dim3A_136 = vector.broadcast %broadcast_in_dim3A : i32 to vector<16xi32>
      %gather3A = tpu.vector_load_idx %arg9[%broadcast_in_dim3A_136, %get3A_135] : memref<8x2048xf32, #tpu.memory_space<vmem>>[vector<16xi32>, vector<16xi32>], vector<16xf32>,
      %broadcast_in_dim3A_137 = arith.constant 1 : i32
      %broadcast_in_dim3A_138 = vector.broadcast %broadcast_in_dim3A_137 : i32 to vector<16xi32>
      %gather3A_139 = tpu.vector_load_idx %arg9[%broadcast_in_dim3A_138, %get3A_135] : memref<8x2048xf32, #tpu.memory_space<vmem>>[vector<16xi32>, vector<16xi32>], vector<16xf32>,
      %broadcast_in_dim3A_140 = arith.constant 2 : i32
      %broadcast_in_dim3A_141 = vector.broadcast %broadcast_in_dim3A_140 : i32 to vector<16xi32>
      %gather3A_142 = tpu.vector_load_idx %arg9[%broadcast_in_dim3A_141, %get3A_135] : memref<8x2048xf32, #tpu.memory_space<vmem>>[vector<16xi32>, vector<16xi32>], vector<16xf32>,
      %broadcast_in_dim3A_143 = arith.constant 3 : i32
      %broadcast_in_dim3A_144 = vector.broadcast %broadcast_in_dim3A_143 : i32 to vector<16xi32>
      %gather3A_145 = tpu.vector_load_idx %arg9[%broadcast_in_dim3A_144, %get3A_135] : memref<8x2048xf32, #tpu.memory_space<vmem>>[vector<16xi32>, vector<16xi32>], vector<16xf32>,
      %broadcast_in_dim3A_146 = arith.constant 4 : i32
      %broadcast_in_dim3A_147 = vector.broadcast %broadcast_in_dim3A_146 : i32 to vector<16xi32>
      %gather3A_148 = tpu.vector_load_idx %arg9[%broadcast_in_dim3A_147, %get3A_135] : memref<8x2048xf32, #tpu.memory_space<vmem>>[vector<16xi32>, vector<16xi32>], vector<16xf32>,
      %broadcast_in_dim3A_149 = arith.constant 5 : i32
      %broadcast_in_dim3A_150 = vector.broadcast %broadcast_in_dim3A_149 : i32 to vector<16xi32>
      %gather3A_151 = tpu.vector_load_idx %arg9[%broadcast_in_dim3A_150, %get3A_135] : memref<8x2048xf32, #tpu.memory_space<vmem>>[vector<16xi32>, vector<16xi32>], vector<16xf32>,
      %broadcast_in_dim3A_152 = arith.constant 6 : i32
      %broadcast_in_dim3A_153 = vector.broadcast %broadcast_in_dim3A_152 : i32 to vector<16xi32>
      %gather3A_154 = tpu.vector_load_idx %arg9[%broadcast_in_dim3A_153, %get3A_135] : memref<8x2048xf32, #tpu.memory_space<vmem>>[vector<16xi32>, vector<16xi32>], vector<16xf32>,
      %broadcast_in_dim3A_155 = arith.constant 7 : i32
      %broadcast_in_dim3A_156 = vector.broadcast %broadcast_in_dim3A_155 : i32 to vector<16xi32>
      %gather3A_157 = tpu.vector_load_idx %arg9[%broadcast_in_dim3A_156, %get3A_135] : memref<8x2048xf32, #tpu.memory_space<vmem>>[vector<16xi32>, vector<16xi32>], vector<16xf32>,
      %mul3A_158 = arith.constant 16 : i32
      %mul3A_159 = arith.muli %scan3A_132, %mul3A_158 : i32
      %swap3A = arith.constant 0 : i32
      %swap3A_160 = arith.index_cast %swap3A : i32 to index
      %swap3A_161 = arith.index_cast %mul3A_159 : i32 to index
      %swap3A_162 = tpu.vector_load %arg12[%swap3A_160, %swap3A_161] {strides = array<i32>} : memref<8x1088xf32, #tpu.memory_space<vmem>>, vector<16xf32>,
      tpu.vector_store %arg12[%swap3A_160, %swap3A_161], %gather3A {strides = array<i32>} : memref<8x1088xf32, #tpu.memory_space<vmem>>, vector<16xf32>,
      %mul3A_163 = arith.constant 16 : i32
      %mul3A_164 = arith.muli %scan3A_132, %mul3A_163 : i32
      %swap3A_165 = arith.constant 1 : i32
      %swap3A_166 = arith.index_cast %swap3A_165 : i32 to index
      %swap3A_167 = arith.index_cast %mul3A_164 : i32 to index
      %swap3A_168 = tpu.vector_load %arg12[%swap3A_166, %swap3A_167] {strides = array<i32>} : memref<8x1088xf32, #tpu.memory_space<vmem>>, vector<16xf32>,
      tpu.vector_store %arg12[%swap3A_166, %swap3A_167], %gather3A_139 {strides = array<i32>} : memref<8x1088xf32, #tpu.memory_space<vmem>>, vector<16xf32>,
      %mul3A_169 = arith.constant 16 : i32
      %mul3A_170 = arith.muli %scan3A_132, %mul3A_169 : i32
      %swap3A_171 = arith.constant 2 : i32
      %swap3A_172 = arith.index_cast %swap3A_171 : i32 to index
      %swap3A_173 = arith.index_cast %mul3A_170 : i32 to index
      %swap3A_174 = tpu.vector_load %arg12[%swap3A_172, %swap3A_173] {strides = array<i32>} : memref<8x1088xf32, #tpu.memory_space<vmem>>, vector<16xf32>,
      tpu.vector_store %arg12[%swap3A_172, %swap3A_173], %gather3A_142 {strides = array<i32>} : memref<8x1088xf32, #tpu.memory_space<vmem>>, vector<16xf32>,
      %mul3A_175 = arith.constant 16 : i32
      %mul3A_176 = arith.muli %scan3A_132, %mul3A_175 : i32
      %swap3A_177 = arith.constant 3 : i32
      %swap3A_178 = arith.index_cast %swap3A_177 : i32 to index
      %swap3A_179 = arith.index_cast %mul3A_176 : i32 to index
      %swap3A_180 = tpu.vector_load %arg12[%swap3A_178, %swap3A_179] {strides = array<i32>} : memref<8x1088xf32, #tpu.memory_space<vmem>>, vector<16xf32>,
      tpu.vector_store %arg12[%swap3A_178, %swap3A_179], %gather3A_145 {strides = array<i32>} : memref<8x1088xf32, #tpu.memory_space<vmem>>, vector<16xf32>,
      %mul3A_181 = arith.constant 16 : i32
      %mul3A_182 = arith.muli %scan3A_132, %mul3A_181 : i32
      %swap3A_183 = arith.constant 4 : i32
      %swap3A_184 = arith.index_cast %swap3A_183 : i32 to index
      %swap3A_185 = arith.index_cast %mul3A_182 : i32 to index
      %swap3A_186 = tpu.vector_load %arg12[%swap3A_184, %swap3A_185] {strides = array<i32>} : memref<8x1088xf32, #tpu.memory_space<vmem>>, vector<16xf32>,
      tpu.vector_store %arg12[%swap3A_184, %swap3A_185], %gather3A_148 {strides = array<i32>} : memref<8x1088xf32, #tpu.memory_space<vmem>>, vector<16xf32>,
      %mul3A_187 = arith.constant 16 : i32
      %mul3A_188 = arith.muli %scan3A_132, %mul3A_187 : i32
      %swap3A_189 = arith.constant 5 : i32
      %swap3A_190 = arith.index_cast %swap3A_189 : i32 to index
      %swap3A_191 = arith.index_cast %mul3A_188 : i32 to index
      %swap3A_192 = tpu.vector_load %arg12[%swap3A_190, %swap3A_191] {strides = array<i32>} : memref<8x1088xf32, #tpu.memory_space<vmem>>, vector<16xf32>,
      tpu.vector_store %arg12[%swap3A_190, %swap3A_191], %gather3A_151 {strides = array<i32>} : memref<8x1088xf32, #tpu.memory_space<vmem>>, vector<16xf32>,
      %mul3A_193 = arith.constant 16 : i32
      %mul3A_194 = arith.muli %scan3A_132, %mul3A_193 : i32
      %swap3A_195 = arith.constant 6 : i32
      %swap3A_196 = arith.index_cast %swap3A_195 : i32 to index
      %swap3A_197 = arith.index_cast %mul3A_194 : i32 to index
      %swap3A_198 = tpu.vector_load %arg12[%swap3A_196, %swap3A_197] {strides = array<i32>} : memref<8x1088xf32, #tpu.memory_space<vmem>>, vector<16xf32>,
      tpu.vector_store %arg12[%swap3A_196, %swap3A_197], %gather3A_154 {strides = array<i32>} : memref<8x1088xf32, #tpu.memory_space<vmem>>, vector<16xf32>,
      %mul3A_199 = arith.constant 16 : i32
      %mul3A_200 = arith.muli %scan3A_132, %mul3A_199 : i32
      %swap3A_201 = arith.constant 7 : i32
      %swap3A_202 = arith.index_cast %swap3A_201 : i32 to index
      %swap3A_203 = arith.index_cast %mul3A_200 : i32 to index
      %swap3A_204 = tpu.vector_load %arg12[%swap3A_202, %swap3A_203] {strides = array<i32>} : memref<8x1088xf32, #tpu.memory_space<vmem>>, vector<16xf32>,
      tpu.vector_store %arg12[%swap3A_202, %swap3A_203], %gather3A_157 {strides = array<i32>} : memref<8x1088xf32, #tpu.memory_space<vmem>>, vector<16xf32>,
    }
    %scan3A_99 = arith.constant 68 : i32
    %mul3A_100 = arith.constant 136 : i32
    %mul3A_101 = arith.muli %add3A, %mul3A_100 : i32
    %add3A_102 = arith.constant 128 : i32
    %add3A_103 = arith.addi %mul3A_101, %add3A_102 : i32
    %dma_start3A_104 = arith.constant 0 : i32
    %dma_start3A_105 = tpu.memref_slice %arg5[%add3A_103, %dma_start3A_104] : memref<4352x1088xf32, #tpu.memory_space<hbm>> -> memref<8x1088xf32, #tpu.memory_space<hbm>>
    %dma_start3A_106 = arith.constant 0 : i32
    %dma_start3A_107 = tpu.memref_slice %arg5[%add3A_103, %dma_start3A_106] : memref<4352x1088xf32, #tpu.memory_space<hbm>> -> memref<8x1088xf32, #tpu.memory_space<hbm>>
    tpu.enqueue_dma source(%arg12 : memref<8x1088xf32, #tpu.memory_space<vmem>>) target(%dma_start3A_107 : memref<8x1088xf32, #tpu.memory_space<hbm>>) target_semaphore(%arg18 : memref<!tpu.dma_semaphore, #tpu.memory_space<semaphore_mem>>)
    %mul3A_108 = arith.constant 136 : i32
    %mul3A_109 = arith.muli %add3A, %mul3A_108 : i32
    %add3A_110 = arith.constant 120 : i32
    %add3A_111 = arith.addi %mul3A_109, %add3A_110 : i32
    %dma_wait3A_112 = arith.constant 0 : i32
    %dma_wait3A_113 = tpu.memref_slice %arg5[%add3A_111, %dma_wait3A_112] : memref<4352x1088xf32, #tpu.memory_space<hbm>> -> memref<8x1088xf32, #tpu.memory_space<hbm>>
    %dma_wait3A_114 = arith.constant 0 : i32
    %dma_wait3A_115 = tpu.memref_slice %arg5[%add3A_111, %dma_wait3A_114] : memref<4352x1088xf32, #tpu.memory_space<hbm>> -> memref<8x1088xf32, #tpu.memory_space<hbm>>
    tpu.wait_dma2 semaphore(%arg17 : memref<!tpu.dma_semaphore, #tpu.memory_space<semaphore_mem>>) src(%arg11 : memref<8x1088xf32, #tpu.memory_space<vmem>>) dst(%dma_wait3A_115 : memref<8x1088xf32, #tpu.memory_space<hbm>>)
    %mul3A_116 = arith.constant 136 : i32
    %mul3A_117 = arith.muli %add3A, %mul3A_116 : i32
    %add3A_118 = arith.constant 128 : i32
    %add3A_119 = arith.addi %mul3A_117, %add3A_118 : i32
    %dma_wait3A_120 = arith.constant 0 : i32
    %dma_wait3A_121 = tpu.memref_slice %arg5[%add3A_119, %dma_wait3A_120] : memref<4352x1088xf32, #tpu.memory_space<hbm>> -> memref<8x1088xf32, #tpu.memory_space<hbm>>
    %dma_wait3A_122 = arith.constant 0 : i32
    %dma_wait3A_123 = tpu.memref_slice %arg5[%add3A_119, %dma_wait3A_122] : memref<4352x1088xf32, #tpu.memory_space<hbm>> -> memref<8x1088xf32, #tpu.memory_space<hbm>>
    tpu.wait_dma2 semaphore(%arg18 : memref<!tpu.dma_semaphore, #tpu.memory_space<semaphore_mem>>) src(%arg12 : memref<8x1088xf32, #tpu.memory_space<vmem>>) dst(%dma_wait3A_123 : memref<8x1088xf32, #tpu.memory_space<hbm>>)
    %mul3A_124 = arith.constant 136 : i32
    %mul3A_125 = arith.muli %add3A, %mul3A_124 : i32
    %add3A_126 = arith.constant 112 : i32
    %add3A_127 = arith.addi %mul3A_125, %add3A_126 : i32
    %dma_wait3A_128 = arith.constant 0 : i32
    %dma_wait3A_129 = tpu.memref_slice %arg5[%add3A_127, %dma_wait3A_128] : memref<4352x1088xf32, #tpu.memory_space<hbm>> -> memref<8x1088xf32, #tpu.memory_space<hbm>>
    %dma_wait3A_130 = arith.constant 0 : i32
    %dma_wait3A_131 = tpu.memref_slice %arg5[%add3A_127, %dma_wait3A_130] : memref<4352x1088xf32, #tpu.memory_space<hbm>> -> memref<8x1088xf32, #tpu.memory_space<hbm>>
    tpu.wait_dma2 semaphore(%arg19 : memref<!tpu.dma_semaphore, #tpu.memory_space<semaphore_mem>>) src(%arg13 : memref<8x1088xf32, #tpu.memory_space<vmem>>) dst(%dma_wait3A_131 : memref<8x1088xf32, #tpu.memory_space<hbm>>)
    return
  }
}

module attributes {stable_mosaic.version = 14 : i64} {
  func.func @_sel_body(%arg0: i32, %arg1: memref<1x1x1920xf32, #tpu.memory_space<vmem>>, %arg2: memref<1x1x2048xf32, #tpu.memory_space<vmem>>, %arg3: memref<1x1x1088xi32, #tpu.memory_space<vmem>>, %arg4: memref<1x1x1088xi32, #tpu.memory_space<vmem>>, %arg5: memref<1x1x1088xf32, #tpu.memory_space<vmem>>) attributes {dimension_semantics = [#tpu.dimension_semantics<arbitrary>], iteration_bounds = array<i64: 4>, scalar_prefetch = 0 : i64, scratch_operands = 0 : i64, tpu.core_type = #tpu.core_type<tc>, window_params = [{transform_indices = @transform_0, window_bounds = array<i64: 1, 1, 1920>}, {transform_indices = @transform_1, window_bounds = array<i64: 1, 1, 2048>}, {transform_indices = @transform_2, window_bounds = array<i64: 1, 1, 1088>}, {transform_indices = @transform_3, window_bounds = array<i64: 1, 1, 1088>}, {transform_indices = @transform_4, window_bounds = array<i64: 1, 1, 1088>}]} {
    %get3A = arith.constant 0 : index
    %get3A_0 = arith.constant 0 : index
    %get3A_1 = arith.constant 0 : index
    %get3A_2 = vector.load %arg1[%get3A, %get3A_0, %get3A_1] : memref<1x1x1920xf32, #tpu.memory_space<vmem>>, vector<1x1x1920xf32>
    %get3A_3 = vector.shape_cast %get3A_2 : vector<1x1x1920xf32> to vector<1x1920xf32>
    %get3A_4 = arith.constant 0 : index
    %get3A_5 = arith.constant 0 : index
    %get3A_6 = arith.constant 0 : index
    %get3A_7 = vector.load %arg2[%get3A_4, %get3A_5, %get3A_6] : memref<1x1x2048xf32, #tpu.memory_space<vmem>>, vector<1x1x2048xf32>
    %get3A_8 = vector.shape_cast %get3A_7 : vector<1x1x2048xf32> to vector<1x2048xf32>
    %reshape3A = vector.shape_cast %get3A_3 : vector<1x1920xf32> to vector<1920x1xf32>
    %iota3A = tpu.iota {dimensions = array<i32: 0>} : vector<1920x1xi32>
    %iota3A_9 = tpu.iota {dimensions = array<i32: 1>} : vector<1x1920xi32>
    %slice3A = vector.extract_strided_slice %get3A_3 {offsets = [0, 0], sizes = [1, 384], strides = [1, 1]} : vector<1x1920xf32> to vector<1x384xf32>
    %iota3A_10 = tpu.iota {dimensions = array<i32: 1>} : vector<1x384xi32>
    %add3A = arith.constant 0 : i32
    %add3A_11 = vector.broadcast %add3A : i32 to vector<1x384xi32>
    %add3A_12 = arith.addi %iota3A_10, %add3A_11 : vector<1x384xi32>
    %lt3A = vector.broadcast %reshape3A : vector<1920x1xf32> to vector<1920x384xf32>
    %lt3A_13 = vector.broadcast %slice3A : vector<1x384xf32> to vector<1920x384xf32>
    %lt3A_14 = arith.cmpf olt, %lt3A, %lt3A_13 : vector<1920x384xf32>
    %eq3A = vector.broadcast %reshape3A : vector<1920x1xf32> to vector<1920x384xf32>
    %eq3A_15 = vector.broadcast %slice3A : vector<1x384xf32> to vector<1920x384xf32>
    %eq3A_16 = arith.cmpf oeq, %eq3A, %eq3A_15 : vector<1920x384xf32>
    %lt3A_17 = vector.broadcast %iota3A : vector<1920x1xi32> to vector<1920x384xi32>
    %lt3A_18 = vector.broadcast %add3A_12 : vector<1x384xi32> to vector<1920x384xi32>
    %lt3A_19 = arith.cmpi slt, %lt3A_17, %lt3A_18 : vector<1920x384xi32>
    %and3A = arith.andi %eq3A_16, %lt3A_19 : vector<1920x384xi1>
    %or3A = arith.ori %lt3A_14, %and3A : vector<1920x384xi1>
    %convert_element_type3A = arith.extui %or3A : vector<1920x384xi1> to vector<1920x384xi32>
    %reduce_sum3A = arith.constant dense<0> : vector<384xi32>
    %reduce_sum3A_20 = vector.multi_reduction <add>, %convert_element_type3A, %reduce_sum3A [0] : vector<1920x384xi32> to vector<384xi32>
    %broadcast_in_dim3A = vector.shape_cast %reduce_sum3A_20 : vector<384xi32> to vector<1x384xi32>
    %slice3A_21 = vector.extract_strided_slice %get3A_3 {offsets = [0, 384], sizes = [1, 384], strides = [1, 1]} : vector<1x1920xf32> to vector<1x384xf32>
    %iota3A_22 = tpu.iota {dimensions = array<i32: 1>} : vector<1x384xi32>
    %add3A_23 = arith.constant 384 : i32
    %add3A_24 = vector.broadcast %add3A_23 : i32 to vector<1x384xi32>
    %add3A_25 = arith.addi %iota3A_22, %add3A_24 : vector<1x384xi32>
    %lt3A_26 = vector.broadcast %reshape3A : vector<1920x1xf32> to vector<1920x384xf32>
    %lt3A_27 = vector.broadcast %slice3A_21 : vector<1x384xf32> to vector<1920x384xf32>
    %lt3A_28 = arith.cmpf olt, %lt3A_26, %lt3A_27 : vector<1920x384xf32>
    %eq3A_29 = vector.broadcast %reshape3A : vector<1920x1xf32> to vector<1920x384xf32>
    %eq3A_30 = vector.broadcast %slice3A_21 : vector<1x384xf32> to vector<1920x384xf32>
    %eq3A_31 = arith.cmpf oeq, %eq3A_29, %eq3A_30 : vector<1920x384xf32>
    %lt3A_32 = vector.broadcast %iota3A : vector<1920x1xi32> to vector<1920x384xi32>
    %lt3A_33 = vector.broadcast %add3A_25 : vector<1x384xi32> to vector<1920x384xi32>
    %lt3A_34 = arith.cmpi slt, %lt3A_32, %lt3A_33 : vector<1920x384xi32>
    %and3A_35 = arith.andi %eq3A_31, %lt3A_34 : vector<1920x384xi1>
    %or3A_36 = arith.ori %lt3A_28, %and3A_35 : vector<1920x384xi1>
    %convert_element_type3A_37 = arith.extui %or3A_36 : vector<1920x384xi1> to vector<1920x384xi32>
    %reduce_sum3A_38 = arith.constant dense<0> : vector<384xi32>
    %reduce_sum3A_39 = vector.multi_reduction <add>, %convert_element_type3A_37, %reduce_sum3A_38 [0] : vector<1920x384xi32> to vector<384xi32>
    %broadcast_in_dim3A_40 = vector.shape_cast %reduce_sum3A_39 : vector<384xi32> to vector<1x384xi32>
    %slice3A_41 = vector.extract_strided_slice %get3A_3 {offsets = [0, 768], sizes = [1, 384], strides = [1, 1]} : vector<1x1920xf32> to vector<1x384xf32>
    %iota3A_42 = tpu.iota {dimensions = array<i32: 1>} : vector<1x384xi32>
    %add3A_43 = arith.constant 768 : i32
    %add3A_44 = vector.broadcast %add3A_43 : i32 to vector<1x384xi32>
    %add3A_45 = arith.addi %iota3A_42, %add3A_44 : vector<1x384xi32>
    %lt3A_46 = vector.broadcast %reshape3A : vector<1920x1xf32> to vector<1920x384xf32>
    %lt3A_47 = vector.broadcast %slice3A_41 : vector<1x384xf32> to vector<1920x384xf32>
    %lt3A_48 = arith.cmpf olt, %lt3A_46, %lt3A_47 : vector<1920x384xf32>
    %eq3A_49 = vector.broadcast %reshape3A : vector<1920x1xf32> to vector<1920x384xf32>
    %eq3A_50 = vector.broadcast %slice3A_41 : vector<1x384xf32> to vector<1920x384xf32>
    %eq3A_51 = arith.cmpf oeq, %eq3A_49, %eq3A_50 : vector<1920x384xf32>
    %lt3A_52 = vector.broadcast %iota3A : vector<1920x1xi32> to vector<1920x384xi32>
    %lt3A_53 = vector.broadcast %add3A_45 : vector<1x384xi32> to vector<1920x384xi32>
    %lt3A_54 = arith.cmpi slt, %lt3A_52, %lt3A_53 : vector<1920x384xi32>
    %and3A_55 = arith.andi %eq3A_51, %lt3A_54 : vector<1920x384xi1>
    %or3A_56 = arith.ori %lt3A_48, %and3A_55 : vector<1920x384xi1>
    %convert_element_type3A_57 = arith.extui %or3A_56 : vector<1920x384xi1> to vector<1920x384xi32>
    %reduce_sum3A_58 = arith.constant dense<0> : vector<384xi32>
    %reduce_sum3A_59 = vector.multi_reduction <add>, %convert_element_type3A_57, %reduce_sum3A_58 [0] : vector<1920x384xi32> to vector<384xi32>
    %broadcast_in_dim3A_60 = vector.shape_cast %reduce_sum3A_59 : vector<384xi32> to vector<1x384xi32>
    %slice3A_61 = vector.extract_strided_slice %get3A_3 {offsets = [0, 1152], sizes = [1, 384], strides = [1, 1]} : vector<1x1920xf32> to vector<1x384xf32>
    %iota3A_62 = tpu.iota {dimensions = array<i32: 1>} : vector<1x384xi32>
    %add3A_63 = arith.constant 1152 : i32
    %add3A_64 = vector.broadcast %add3A_63 : i32 to vector<1x384xi32>
    %add3A_65 = arith.addi %iota3A_62, %add3A_64 : vector<1x384xi32>
    %lt3A_66 = vector.broadcast %reshape3A : vector<1920x1xf32> to vector<1920x384xf32>
    %lt3A_67 = vector.broadcast %slice3A_61 : vector<1x384xf32> to vector<1920x384xf32>
    %lt3A_68 = arith.cmpf olt, %lt3A_66, %lt3A_67 : vector<1920x384xf32>
    %eq3A_69 = vector.broadcast %reshape3A : vector<1920x1xf32> to vector<1920x384xf32>
    %eq3A_70 = vector.broadcast %slice3A_61 : vector<1x384xf32> to vector<1920x384xf32>
    %eq3A_71 = arith.cmpf oeq, %eq3A_69, %eq3A_70 : vector<1920x384xf32>
    %lt3A_72 = vector.broadcast %iota3A : vector<1920x1xi32> to vector<1920x384xi32>
    %lt3A_73 = vector.broadcast %add3A_65 : vector<1x384xi32> to vector<1920x384xi32>
    %lt3A_74 = arith.cmpi slt, %lt3A_72, %lt3A_73 : vector<1920x384xi32>
    %and3A_75 = arith.andi %eq3A_71, %lt3A_74 : vector<1920x384xi1>
    %or3A_76 = arith.ori %lt3A_68, %and3A_75 : vector<1920x384xi1>
    %convert_element_type3A_77 = arith.extui %or3A_76 : vector<1920x384xi1> to vector<1920x384xi32>
    %reduce_sum3A_78 = arith.constant dense<0> : vector<384xi32>
    %reduce_sum3A_79 = vector.multi_reduction <add>, %convert_element_type3A_77, %reduce_sum3A_78 [0] : vector<1920x384xi32> to vector<384xi32>
    %broadcast_in_dim3A_80 = vector.shape_cast %reduce_sum3A_79 : vector<384xi32> to vector<1x384xi32>
    %slice3A_81 = vector.extract_strided_slice %get3A_3 {offsets = [0, 1536], sizes = [1, 384], strides = [1, 1]} : vector<1x1920xf32> to vector<1x384xf32>
    %iota3A_82 = tpu.iota {dimensions = array<i32: 1>} : vector<1x384xi32>
    %add3A_83 = arith.constant 1536 : i32
    %add3A_84 = vector.broadcast %add3A_83 : i32 to vector<1x384xi32>
    %add3A_85 = arith.addi %iota3A_82, %add3A_84 : vector<1x384xi32>
    %lt3A_86 = vector.broadcast %reshape3A : vector<1920x1xf32> to vector<1920x384xf32>
    %lt3A_87 = vector.broadcast %slice3A_81 : vector<1x384xf32> to vector<1920x384xf32>
    %lt3A_88 = arith.cmpf olt, %lt3A_86, %lt3A_87 : vector<1920x384xf32>
    %eq3A_89 = vector.broadcast %reshape3A : vector<1920x1xf32> to vector<1920x384xf32>
    %eq3A_90 = vector.broadcast %slice3A_81 : vector<1x384xf32> to vector<1920x384xf32>
    %eq3A_91 = arith.cmpf oeq, %eq3A_89, %eq3A_90 : vector<1920x384xf32>
    %lt3A_92 = vector.broadcast %iota3A : vector<1920x1xi32> to vector<1920x384xi32>
    %lt3A_93 = vector.broadcast %add3A_85 : vector<1x384xi32> to vector<1920x384xi32>
    %lt3A_94 = arith.cmpi slt, %lt3A_92, %lt3A_93 : vector<1920x384xi32>
    %and3A_95 = arith.andi %eq3A_91, %lt3A_94 : vector<1920x384xi1>
    %or3A_96 = arith.ori %lt3A_88, %and3A_95 : vector<1920x384xi1>
    %convert_element_type3A_97 = arith.extui %or3A_96 : vector<1920x384xi1> to vector<1920x384xi32>
    %reduce_sum3A_98 = arith.constant dense<0> : vector<384xi32>
    %reduce_sum3A_99 = vector.multi_reduction <add>, %convert_element_type3A_97, %reduce_sum3A_98 [0] : vector<1920x384xi32> to vector<384xi32>
    %broadcast_in_dim3A_100 = vector.shape_cast %reduce_sum3A_99 : vector<384xi32> to vector<1x384xi32>
    %concatenate3A = tpu.concatenate %broadcast_in_dim3A, %broadcast_in_dim3A_40, %broadcast_in_dim3A_60, %broadcast_in_dim3A_80, %broadcast_in_dim3A_100 in 1 : vector<1x384xi32>, vector<1x384xi32>, vector<1x384xi32>, vector<1x384xi32>, vector<1x384xi32> -> vector<1x1920xi32>
    %slice3A_101 = vector.extract_strided_slice %get3A_8 {offsets = [0, 0], sizes = [1, 1920], strides = [1, 1]} : vector<1x2048xf32> to vector<1x1920xf32>
    %iota3A_102 = tpu.iota {dimensions = array<i32: 0>} : vector<192x1xi32>
    %add3A_103 = arith.constant 0 : i32
    %add3A_104 = vector.broadcast %add3A_103 : i32 to vector<192x1xi32>
    %add3A_105 = arith.addi %iota3A_102, %add3A_104 : vector<192x1xi32>
    %eq3A_106 = vector.broadcast %concatenate3A : vector<1x1920xi32> to vector<192x1920xi32>
    %eq3A_107 = vector.broadcast %add3A_105 : vector<192x1xi32> to vector<192x1920xi32>
    %eq3A_108 = arith.cmpi eq, %eq3A_106, %eq3A_107 : vector<192x1920xi32>
    %jit3A = arith.constant 0 : i32
    %broadcast_in_dim3A_109 = vector.shape_cast %iota3A_9 : vector<1x1920xi32> to vector<1x1920xi32>
    %broadcast_in_dim3A_110 = vector.broadcast %broadcast_in_dim3A_109 : vector<1x1920xi32> to vector<192x1920xi32>
    %broadcast_in_dim3A_111 = vector.broadcast %jit3A : i32 to vector<192x1920xi32>
    %select_n3A = arith.select %eq3A_108, %broadcast_in_dim3A_110, %broadcast_in_dim3A_111 : vector<192x1920xi1>, vector<192x1920xi32>
    %reduce_sum3A_112 = arith.constant dense<0> : vector<192xi32>
    %reduce_sum3A_113 = vector.multi_reduction <add>, %select_n3A, %reduce_sum3A_112 [1] : vector<192x1920xi32> to vector<192xi32>
    %broadcast_in_dim3A_114 = vector.shape_cast %reduce_sum3A_113 : vector<192xi32> to vector<192x1xi32>
    %jit3A_115 = arith.constant 0.000000e+00 : f32
    %broadcast_in_dim3A_116 = vector.shape_cast %slice3A_101 : vector<1x1920xf32> to vector<1x1920xf32>
    %broadcast_in_dim3A_117 = vector.broadcast %broadcast_in_dim3A_116 : vector<1x1920xf32> to vector<192x1920xf32>
    %broadcast_in_dim3A_118 = vector.broadcast %jit3A_115 : f32 to vector<192x1920xf32>
    %select_n3A_119 = arith.select %eq3A_108, %broadcast_in_dim3A_117, %broadcast_in_dim3A_118 : vector<192x1920xi1>, vector<192x1920xf32>
    %reduce_sum3A_120 = arith.constant dense<0.000000e+00> : vector<192xf32>
    %reduce_sum3A_121 = vector.multi_reduction <add>, %select_n3A_119, %reduce_sum3A_120 [1] : vector<192x1920xf32> to vector<192xf32>
    %broadcast_in_dim3A_122 = vector.shape_cast %reduce_sum3A_121 : vector<192xf32> to vector<192x1xf32>
    %iota3A_123 = tpu.iota {dimensions = array<i32: 0>} : vector<192x1xi32>
    %add3A_124 = arith.constant 192 : i32
    %add3A_125 = vector.broadcast %add3A_124 : i32 to vector<192x1xi32>
    %add3A_126 = arith.addi %iota3A_123, %add3A_125 : vector<192x1xi32>
    %eq3A_127 = vector.broadcast %concatenate3A : vector<1x1920xi32> to vector<192x1920xi32>
    %eq3A_128 = vector.broadcast %add3A_126 : vector<192x1xi32> to vector<192x1920xi32>
    %eq3A_129 = arith.cmpi eq, %eq3A_127, %eq3A_128 : vector<192x1920xi32>
    %jit3A_130 = arith.constant 0 : i32
    %broadcast_in_dim3A_131 = vector.shape_cast %iota3A_9 : vector<1x1920xi32> to vector<1x1920xi32>
    %broadcast_in_dim3A_132 = vector.broadcast %broadcast_in_dim3A_131 : vector<1x1920xi32> to vector<192x1920xi32>
    %broadcast_in_dim3A_133 = vector.broadcast %jit3A_130 : i32 to vector<192x1920xi32>
    %select_n3A_134 = arith.select %eq3A_129, %broadcast_in_dim3A_132, %broadcast_in_dim3A_133 : vector<192x1920xi1>, vector<192x1920xi32>
    %reduce_sum3A_135 = arith.constant dense<0> : vector<192xi32>
    %reduce_sum3A_136 = vector.multi_reduction <add>, %select_n3A_134, %reduce_sum3A_135 [1] : vector<192x1920xi32> to vector<192xi32>
    %broadcast_in_dim3A_137 = vector.shape_cast %reduce_sum3A_136 : vector<192xi32> to vector<192x1xi32>
    %jit3A_138 = arith.constant 0.000000e+00 : f32
    %broadcast_in_dim3A_139 = vector.shape_cast %slice3A_101 : vector<1x1920xf32> to vector<1x1920xf32>
    %broadcast_in_dim3A_140 = vector.broadcast %broadcast_in_dim3A_139 : vector<1x1920xf32> to vector<192x1920xf32>
    %broadcast_in_dim3A_141 = vector.broadcast %jit3A_138 : f32 to vector<192x1920xf32>
    %select_n3A_142 = arith.select %eq3A_129, %broadcast_in_dim3A_140, %broadcast_in_dim3A_141 : vector<192x1920xi1>, vector<192x1920xf32>
    %reduce_sum3A_143 = arith.constant dense<0.000000e+00> : vector<192xf32>
    %reduce_sum3A_144 = vector.multi_reduction <add>, %select_n3A_142, %reduce_sum3A_143 [1] : vector<192x1920xf32> to vector<192xf32>
    %broadcast_in_dim3A_145 = vector.shape_cast %reduce_sum3A_144 : vector<192xf32> to vector<192x1xf32>
    %iota3A_146 = tpu.iota {dimensions = array<i32: 0>} : vector<192x1xi32>
    %add3A_147 = arith.constant 384 : i32
    %add3A_148 = vector.broadcast %add3A_147 : i32 to vector<192x1xi32>
    %add3A_149 = arith.addi %iota3A_146, %add3A_148 : vector<192x1xi32>
    %eq3A_150 = vector.broadcast %concatenate3A : vector<1x1920xi32> to vector<192x1920xi32>
    %eq3A_151 = vector.broadcast %add3A_149 : vector<192x1xi32> to vector<192x1920xi32>
    %eq3A_152 = arith.cmpi eq, %eq3A_150, %eq3A_151 : vector<192x1920xi32>
    %jit3A_153 = arith.constant 0 : i32
    %broadcast_in_dim3A_154 = vector.shape_cast %iota3A_9 : vector<1x1920xi32> to vector<1x1920xi32>
    %broadcast_in_dim3A_155 = vector.broadcast %broadcast_in_dim3A_154 : vector<1x1920xi32> to vector<192x1920xi32>
    %broadcast_in_dim3A_156 = vector.broadcast %jit3A_153 : i32 to vector<192x1920xi32>
    %select_n3A_157 = arith.select %eq3A_152, %broadcast_in_dim3A_155, %broadcast_in_dim3A_156 : vector<192x1920xi1>, vector<192x1920xi32>
    %reduce_sum3A_158 = arith.constant dense<0> : vector<192xi32>
    %reduce_sum3A_159 = vector.multi_reduction <add>, %select_n3A_157, %reduce_sum3A_158 [1] : vector<192x1920xi32> to vector<192xi32>
    %broadcast_in_dim3A_160 = vector.shape_cast %reduce_sum3A_159 : vector<192xi32> to vector<192x1xi32>
    %jit3A_161 = arith.constant 0.000000e+00 : f32
    %broadcast_in_dim3A_162 = vector.shape_cast %slice3A_101 : vector<1x1920xf32> to vector<1x1920xf32>
    %broadcast_in_dim3A_163 = vector.broadcast %broadcast_in_dim3A_162 : vector<1x1920xf32> to vector<192x1920xf32>
    %broadcast_in_dim3A_164 = vector.broadcast %jit3A_161 : f32 to vector<192x1920xf32>
    %select_n3A_165 = arith.select %eq3A_152, %broadcast_in_dim3A_163, %broadcast_in_dim3A_164 : vector<192x1920xi1>, vector<192x1920xf32>
    %reduce_sum3A_166 = arith.constant dense<0.000000e+00> : vector<192xf32>
    %reduce_sum3A_167 = vector.multi_reduction <add>, %select_n3A_165, %reduce_sum3A_166 [1] : vector<192x1920xf32> to vector<192xf32>
    %broadcast_in_dim3A_168 = vector.shape_cast %reduce_sum3A_167 : vector<192xf32> to vector<192x1xf32>
    %iota3A_169 = tpu.iota {dimensions = array<i32: 0>} : vector<192x1xi32>
    %add3A_170 = arith.constant 576 : i32
    %add3A_171 = vector.broadcast %add3A_170 : i32 to vector<192x1xi32>
    %add3A_172 = arith.addi %iota3A_169, %add3A_171 : vector<192x1xi32>
    %eq3A_173 = vector.broadcast %concatenate3A : vector<1x1920xi32> to vector<192x1920xi32>
    %eq3A_174 = vector.broadcast %add3A_172 : vector<192x1xi32> to vector<192x1920xi32>
    %eq3A_175 = arith.cmpi eq, %eq3A_173, %eq3A_174 : vector<192x1920xi32>
    %jit3A_176 = arith.constant 0 : i32
    %broadcast_in_dim3A_177 = vector.shape_cast %iota3A_9 : vector<1x1920xi32> to vector<1x1920xi32>
    %broadcast_in_dim3A_178 = vector.broadcast %broadcast_in_dim3A_177 : vector<1x1920xi32> to vector<192x1920xi32>
    %broadcast_in_dim3A_179 = vector.broadcast %jit3A_176 : i32 to vector<192x1920xi32>
    %select_n3A_180 = arith.select %eq3A_175, %broadcast_in_dim3A_178, %broadcast_in_dim3A_179 : vector<192x1920xi1>, vector<192x1920xi32>
    %reduce_sum3A_181 = arith.constant dense<0> : vector<192xi32>
    %reduce_sum3A_182 = vector.multi_reduction <add>, %select_n3A_180, %reduce_sum3A_181 [1] : vector<192x1920xi32> to vector<192xi32>
    %broadcast_in_dim3A_183 = vector.shape_cast %reduce_sum3A_182 : vector<192xi32> to vector<192x1xi32>
    %jit3A_184 = arith.constant 0.000000e+00 : f32
    %broadcast_in_dim3A_185 = vector.shape_cast %slice3A_101 : vector<1x1920xf32> to vector<1x1920xf32>
    %broadcast_in_dim3A_186 = vector.broadcast %broadcast_in_dim3A_185 : vector<1x1920xf32> to vector<192x1920xf32>
    %broadcast_in_dim3A_187 = vector.broadcast %jit3A_184 : f32 to vector<192x1920xf32>
    %select_n3A_188 = arith.select %eq3A_175, %broadcast_in_dim3A_186, %broadcast_in_dim3A_187 : vector<192x1920xi1>, vector<192x1920xf32>
    %reduce_sum3A_189 = arith.constant dense<0.000000e+00> : vector<192xf32>
    %reduce_sum3A_190 = vector.multi_reduction <add>, %select_n3A_188, %reduce_sum3A_189 [1] : vector<192x1920xf32> to vector<192xf32>
    %broadcast_in_dim3A_191 = vector.shape_cast %reduce_sum3A_190 : vector<192xf32> to vector<192x1xf32>
    %iota3A_192 = tpu.iota {dimensions = array<i32: 0>} : vector<192x1xi32>
    %add3A_193 = arith.constant 768 : i32
    %add3A_194 = vector.broadcast %add3A_193 : i32 to vector<192x1xi32>
    %add3A_195 = arith.addi %iota3A_192, %add3A_194 : vector<192x1xi32>
    %eq3A_196 = vector.broadcast %concatenate3A : vector<1x1920xi32> to vector<192x1920xi32>
    %eq3A_197 = vector.broadcast %add3A_195 : vector<192x1xi32> to vector<192x1920xi32>
    %eq3A_198 = arith.cmpi eq, %eq3A_196, %eq3A_197 : vector<192x1920xi32>
    %jit3A_199 = arith.constant 0 : i32
    %broadcast_in_dim3A_200 = vector.shape_cast %iota3A_9 : vector<1x1920xi32> to vector<1x1920xi32>
    %broadcast_in_dim3A_201 = vector.broadcast %broadcast_in_dim3A_200 : vector<1x1920xi32> to vector<192x1920xi32>
    %broadcast_in_dim3A_202 = vector.broadcast %jit3A_199 : i32 to vector<192x1920xi32>
    %select_n3A_203 = arith.select %eq3A_198, %broadcast_in_dim3A_201, %broadcast_in_dim3A_202 : vector<192x1920xi1>, vector<192x1920xi32>
    %reduce_sum3A_204 = arith.constant dense<0> : vector<192xi32>
    %reduce_sum3A_205 = vector.multi_reduction <add>, %select_n3A_203, %reduce_sum3A_204 [1] : vector<192x1920xi32> to vector<192xi32>
    %broadcast_in_dim3A_206 = vector.shape_cast %reduce_sum3A_205 : vector<192xi32> to vector<192x1xi32>
    %jit3A_207 = arith.constant 0.000000e+00 : f32
    %broadcast_in_dim3A_208 = vector.shape_cast %slice3A_101 : vector<1x1920xf32> to vector<1x1920xf32>
    %broadcast_in_dim3A_209 = vector.broadcast %broadcast_in_dim3A_208 : vector<1x1920xf32> to vector<192x1920xf32>
    %broadcast_in_dim3A_210 = vector.broadcast %jit3A_207 : f32 to vector<192x1920xf32>
    %select_n3A_211 = arith.select %eq3A_198, %broadcast_in_dim3A_209, %broadcast_in_dim3A_210 : vector<192x1920xi1>, vector<192x1920xf32>
    %reduce_sum3A_212 = arith.constant dense<0.000000e+00> : vector<192xf32>
    %reduce_sum3A_213 = vector.multi_reduction <add>, %select_n3A_211, %reduce_sum3A_212 [1] : vector<192x1920xf32> to vector<192xf32>
    %broadcast_in_dim3A_214 = vector.shape_cast %reduce_sum3A_213 : vector<192xf32> to vector<192x1xf32>
    %iota3A_215 = tpu.iota {dimensions = array<i32: 0>} : vector<128x1xi32>
    %add3A_216 = arith.constant 1920 : i32
    %add3A_217 = vector.broadcast %add3A_216 : i32 to vector<128x1xi32>
    %add3A_218 = arith.addi %iota3A_215, %add3A_217 : vector<128x1xi32>
    %reshape3A_219 = vector.shape_cast %get3A_8 : vector<1x2048xf32> to vector<2048x1xf32>
    %concatenate3A_220 = tpu.concatenate %broadcast_in_dim3A_114, %broadcast_in_dim3A_137, %broadcast_in_dim3A_160, %broadcast_in_dim3A_183, %broadcast_in_dim3A_206, %add3A_218 in 0 : vector<192x1xi32>, vector<192x1xi32>, vector<192x1xi32>, vector<192x1xi32>, vector<192x1xi32>, vector<128x1xi32> -> vector<1088x1xi32>
    %slice3A_221 = vector.extract_strided_slice %reshape3A_219 {offsets = [1920, 0], sizes = [128, 1], strides = [1, 1]} : vector<2048x1xf32> to vector<128x1xf32>
    %concatenate3A_222 = tpu.concatenate %broadcast_in_dim3A_122, %broadcast_in_dim3A_145, %broadcast_in_dim3A_168, %broadcast_in_dim3A_191, %broadcast_in_dim3A_214, %slice3A_221 in 0 : vector<192x1xf32>, vector<192x1xf32>, vector<192x1xf32>, vector<192x1xf32>, vector<192x1xf32>, vector<128x1xf32> -> vector<1088x1xf32>
    %reshape3A_223 = vector.shape_cast %concatenate3A_220 : vector<1088x1xi32> to vector<1x1088xi32>
    %swap3A = arith.constant 0 : index
    %swap3A_224 = arith.constant 0 : index
    %swap3A_225 = arith.constant 0 : index
    %swap3A_226 = vector.load %arg3[%swap3A, %swap3A_224, %swap3A_225] : memref<1x1x1088xi32, #tpu.memory_space<vmem>>, vector<1x1x1088xi32>
    %swap3A_227 = vector.shape_cast %swap3A_226 : vector<1x1x1088xi32> to vector<1x1088xi32>
    %swap3A_228 = vector.shape_cast %reshape3A_223 : vector<1x1088xi32> to vector<1x1x1088xi32>
    tpu.vector_store %arg3[%swap3A, %swap3A_224, %swap3A_225], %swap3A_228 {strides = array<i32>} : memref<1x1x1088xi32, #tpu.memory_space<vmem>>, vector<1x1x1088xi32>,
    %mul3A = arith.constant 2048 : i32
    %mul3A_229 = arith.muli %arg0, %mul3A : i32
    %add3A_230 = vector.broadcast %mul3A_229 : i32 to vector<1088x1xi32>
    %add3A_231 = arith.addi %concatenate3A_220, %add3A_230 : vector<1088x1xi32>
    %reshape3A_232 = vector.shape_cast %add3A_231 : vector<1088x1xi32> to vector<1x1088xi32>
    %swap3A_233 = arith.constant 0 : index
    %swap3A_234 = arith.constant 0 : index
    %swap3A_235 = arith.constant 0 : index
    %swap3A_236 = vector.load %arg4[%swap3A_233, %swap3A_234, %swap3A_235] : memref<1x1x1088xi32, #tpu.memory_space<vmem>>, vector<1x1x1088xi32>
    %swap3A_237 = vector.shape_cast %swap3A_236 : vector<1x1x1088xi32> to vector<1x1088xi32>
    %swap3A_238 = vector.shape_cast %reshape3A_232 : vector<1x1088xi32> to vector<1x1x1088xi32>
    tpu.vector_store %arg4[%swap3A_233, %swap3A_234, %swap3A_235], %swap3A_238 {strides = array<i32>} : memref<1x1x1088xi32, #tpu.memory_space<vmem>>, vector<1x1x1088xi32>,
    %reshape3A_239 = vector.shape_cast %concatenate3A_222 : vector<1088x1xf32> to vector<1x1088xf32>
    %swap3A_240 = arith.constant 0 : index
    %swap3A_241 = arith.constant 0 : index
    %swap3A_242 = arith.constant 0 : index
    %swap3A_243 = vector.load %arg5[%swap3A_240, %swap3A_241, %swap3A_242] : memref<1x1x1088xf32, #tpu.memory_space<vmem>>, vector<1x1x1088xf32>
    %swap3A_244 = vector.shape_cast %swap3A_243 : vector<1x1x1088xf32> to vector<1x1088xf32>
    %swap3A_245 = vector.shape_cast %reshape3A_239 : vector<1x1088xf32> to vector<1x1x1088xf32>
    tpu.vector_store %arg5[%swap3A_240, %swap3A_241, %swap3A_242], %swap3A_245 {strides = array<i32>} : memref<1x1x1088xf32, #tpu.memory_space<vmem>>, vector<1x1x1088xf32>,
    return
  }
  func.func @transform_0(%arg0: i32) -> (i32, i32, i32) {
    %c0_i32 = arith.constant 0 : i32
    %c0_i32_0 = arith.constant 0 : i32
    %c0_i32_1 = arith.constant 0 : i32
    return %arg0, %c0_i32, %c0_i32_0 : i32, i32, i32
  }
  func.func @transform_1(%arg0: i32) -> (i32, i32, i32) {
    %c0_i32 = arith.constant 0 : i32
    %c0_i32_0 = arith.constant 0 : i32
    %c0_i32_1 = arith.constant 0 : i32
    return %arg0, %c0_i32, %c0_i32_0 : i32, i32, i32
  }
  func.func @transform_2(%arg0: i32) -> (i32, i32, i32) {
    %c0_i32 = arith.constant 0 : i32
    %c0_i32_0 = arith.constant 0 : i32
    %c0_i32_1 = arith.constant 0 : i32
    return %arg0, %c0_i32, %c0_i32_0 : i32, i32, i32
  }
  func.func @transform_3(%arg0: i32) -> (i32, i32, i32) {
    %c0_i32 = arith.constant 0 : i32
    %c0_i32_0 = arith.constant 0 : i32
    %c0_i32_1 = arith.constant 0 : i32
    return %arg0, %c0_i32, %c0_i32_0 : i32, i32, i32
  }
  func.func @transform_4(%arg0: i32) -> (i32, i32, i32) {
    %c0_i32 = arith.constant 0 : i32
    %c0_i32_0 = arith.constant 0 : i32
    %c0_i32_1 = arith.constant 0 : i32
    return %arg0, %c0_i32, %c0_i32_0 : i32, i32, i32
  }
}

module attributes {stable_mosaic.version = 14 : i64} {
  func.func @_newx_body(%arg0: i32, %arg1: memref<1x1x1088xi32, #tpu.memory_space<vmem>>, %arg2: memref<1x1x1088xf32, #tpu.memory_space<vmem>>, %arg3: memref<1x2048x128xf32, #tpu.memory_space<vmem>>, %arg4: memref<1x1088x128xf32, #tpu.memory_space<vmem>>) attributes {dimension_semantics = [#tpu.dimension_semantics<arbitrary>], iteration_bounds = array<i64: 4>, scalar_prefetch = 0 : i64, scratch_operands = 0 : i64, tpu.core_type = #tpu.core_type<tc>, window_params = [{transform_indices = @transform_0, window_bounds = array<i64: 1, 1, 1088>}, {transform_indices = @transform_1, window_bounds = array<i64: 1, 1, 1088>}, {transform_indices = @transform_2, window_bounds = array<i64: 1, 2048, 128>}, {transform_indices = @transform_3, window_bounds = array<i64: 1, 1088, 128>}]} {
    %get3A = arith.constant 0 : index
    %get3A_0 = arith.constant 0 : index
    %get3A_1 = arith.constant 0 : index
    %get3A_2 = vector.load %arg1[%get3A, %get3A_0, %get3A_1] : memref<1x1x1088xi32, #tpu.memory_space<vmem>>, vector<1x1x1088xi32>
    %get3A_3 = vector.shape_cast %get3A_2 : vector<1x1x1088xi32> to vector<1x1088xi32>
    %reshape3A = vector.shape_cast %get3A_3 : vector<1x1088xi32> to vector<1088x1xi32>
    %get3A_4 = arith.constant 0 : index
    %get3A_5 = arith.constant 0 : index
    %get3A_6 = arith.constant 0 : index
    %get3A_7 = vector.load %arg2[%get3A_4, %get3A_5, %get3A_6] : memref<1x1x1088xf32, #tpu.memory_space<vmem>>, vector<1x1x1088xf32>
    %get3A_8 = vector.shape_cast %get3A_7 : vector<1x1x1088xf32> to vector<1x1088xf32>
    %reshape3A_9 = vector.shape_cast %get3A_8 : vector<1x1088xf32> to vector<1088x1xf32>
    %iota3A = tpu.iota {dimensions = array<i32: 1>} : vector<1x2048xi32>
    %slice3A = vector.extract_strided_slice %reshape3A {offsets = [0, 0], sizes = [272, 1], strides = [1, 1]} : vector<1088x1xi32> to vector<272x1xi32>
    %slice3A_10 = vector.extract_strided_slice %reshape3A_9 {offsets = [0, 0], sizes = [272, 1], strides = [1, 1]} : vector<1088x1xf32> to vector<272x1xf32>
    %eq3A = vector.broadcast %slice3A : vector<272x1xi32> to vector<272x2048xi32>
    %eq3A_11 = vector.broadcast %iota3A : vector<1x2048xi32> to vector<272x2048xi32>
    %eq3A_12 = arith.cmpi eq, %eq3A, %eq3A_11 : vector<272x2048xi32>
    %convert_element_type3A = arith.extui %eq3A_12 : vector<272x2048xi1> to vector<272x2048xi32>
    %convert_element_type3A_13 = arith.sitofp %convert_element_type3A : vector<272x2048xi32> to vector<272x2048xf32>
    %mul3A = vector.broadcast %slice3A_10 : vector<272x1xf32> to vector<272x2048xf32>
    %mul3A_14 = arith.mulf %convert_element_type3A_13, %mul3A : vector<272x2048xf32>
    %get3A_15 = arith.constant 0 : index
    %get3A_16 = arith.constant 0 : index
    %get3A_17 = arith.constant 0 : index
    %get3A_18 = vector.load %arg3[%get3A_15, %get3A_16, %get3A_17] : memref<1x2048x128xf32, #tpu.memory_space<vmem>>, vector<1x2048x128xf32>
    %get3A_19 = vector.shape_cast %get3A_18 : vector<1x2048x128xf32> to vector<2048x128xf32>
    %dot_general3A = arith.constant dense<0.000000e+00> : vector<272x128xf32>
    %dot_general3A_20 = tpu.matmul %mul3A_14, %get3A_19, %dot_general3A {dimension_numbers = #tpu.dot_dimension_numbers<[1], [0], [0], [1], [0, 0, 1, 1], [], []>, precision = #tpu.contract_precision<fp32>, transpose_lhs_hint = false} : vector<272x2048xf32>, vector<2048x128xf32>, vector<272x128xf32> -> vector<272x128xf32>
    %swap3A = arith.constant 0 : index
    %swap3A_21 = arith.constant 0 : index
    %swap3A_22 = arith.constant 0 : index
    %swap3A_23 = vector.load %arg4[%swap3A, %swap3A_21, %swap3A_22] : memref<1x1088x128xf32, #tpu.memory_space<vmem>>, vector<1x272x128xf32>
    %swap3A_24 = vector.shape_cast %swap3A_23 : vector<1x272x128xf32> to vector<272x128xf32>
    %swap3A_25 = vector.shape_cast %dot_general3A_20 : vector<272x128xf32> to vector<1x272x128xf32>
    tpu.vector_store %arg4[%swap3A, %swap3A_21, %swap3A_22], %swap3A_25 {strides = array<i32>} : memref<1x1088x128xf32, #tpu.memory_space<vmem>>, vector<1x272x128xf32>,
    %slice3A_26 = vector.extract_strided_slice %reshape3A {offsets = [272, 0], sizes = [272, 1], strides = [1, 1]} : vector<1088x1xi32> to vector<272x1xi32>
    %slice3A_27 = vector.extract_strided_slice %reshape3A_9 {offsets = [272, 0], sizes = [272, 1], strides = [1, 1]} : vector<1088x1xf32> to vector<272x1xf32>
    %eq3A_28 = vector.broadcast %slice3A_26 : vector<272x1xi32> to vector<272x2048xi32>
    %eq3A_29 = vector.broadcast %iota3A : vector<1x2048xi32> to vector<272x2048xi32>
    %eq3A_30 = arith.cmpi eq, %eq3A_28, %eq3A_29 : vector<272x2048xi32>
    %convert_element_type3A_31 = arith.extui %eq3A_30 : vector<272x2048xi1> to vector<272x2048xi32>
    %convert_element_type3A_32 = arith.sitofp %convert_element_type3A_31 : vector<272x2048xi32> to vector<272x2048xf32>
    %mul3A_33 = vector.broadcast %slice3A_27 : vector<272x1xf32> to vector<272x2048xf32>
    %mul3A_34 = arith.mulf %convert_element_type3A_32, %mul3A_33 : vector<272x2048xf32>
    %get3A_35 = arith.constant 0 : index
    %get3A_36 = arith.constant 0 : index
    %get3A_37 = arith.constant 0 : index
    %get3A_38 = vector.load %arg3[%get3A_35, %get3A_36, %get3A_37] : memref<1x2048x128xf32, #tpu.memory_space<vmem>>, vector<1x2048x128xf32>
    %get3A_39 = vector.shape_cast %get3A_38 : vector<1x2048x128xf32> to vector<2048x128xf32>
    %dot_general3A_40 = arith.constant dense<0.000000e+00> : vector<272x128xf32>
    %dot_general3A_41 = tpu.matmul %mul3A_34, %get3A_39, %dot_general3A_40 {dimension_numbers = #tpu.dot_dimension_numbers<[1], [0], [0], [1], [0, 0, 1, 1], [], []>, precision = #tpu.contract_precision<fp32>, transpose_lhs_hint = false} : vector<272x2048xf32>, vector<2048x128xf32>, vector<272x128xf32> -> vector<272x128xf32>
    %swap3A_42 = arith.constant 0 : index
    %swap3A_43 = arith.constant 272 : index
    %swap3A_44 = arith.constant 0 : index
    %swap3A_45 = vector.load %arg4[%swap3A_42, %swap3A_43, %swap3A_44] : memref<1x1088x128xf32, #tpu.memory_space<vmem>>, vector<1x272x128xf32>
    %swap3A_46 = vector.shape_cast %swap3A_45 : vector<1x272x128xf32> to vector<272x128xf32>
    %swap3A_47 = vector.shape_cast %dot_general3A_41 : vector<272x128xf32> to vector<1x272x128xf32>
    tpu.vector_store %arg4[%swap3A_42, %swap3A_43, %swap3A_44], %swap3A_47 {strides = array<i32>} : memref<1x1088x128xf32, #tpu.memory_space<vmem>>, vector<1x272x128xf32>,
    %slice3A_48 = vector.extract_strided_slice %reshape3A {offsets = [544, 0], sizes = [272, 1], strides = [1, 1]} : vector<1088x1xi32> to vector<272x1xi32>
    %slice3A_49 = vector.extract_strided_slice %reshape3A_9 {offsets = [544, 0], sizes = [272, 1], strides = [1, 1]} : vector<1088x1xf32> to vector<272x1xf32>
    %eq3A_50 = vector.broadcast %slice3A_48 : vector<272x1xi32> to vector<272x2048xi32>
    %eq3A_51 = vector.broadcast %iota3A : vector<1x2048xi32> to vector<272x2048xi32>
    %eq3A_52 = arith.cmpi eq, %eq3A_50, %eq3A_51 : vector<272x2048xi32>
    %convert_element_type3A_53 = arith.extui %eq3A_52 : vector<272x2048xi1> to vector<272x2048xi32>
    %convert_element_type3A_54 = arith.sitofp %convert_element_type3A_53 : vector<272x2048xi32> to vector<272x2048xf32>
    %mul3A_55 = vector.broadcast %slice3A_49 : vector<272x1xf32> to vector<272x2048xf32>
    %mul3A_56 = arith.mulf %convert_element_type3A_54, %mul3A_55 : vector<272x2048xf32>
    %get3A_57 = arith.constant 0 : index
    %get3A_58 = arith.constant 0 : index
    %get3A_59 = arith.constant 0 : index
    %get3A_60 = vector.load %arg3[%get3A_57, %get3A_58, %get3A_59] : memref<1x2048x128xf32, #tpu.memory_space<vmem>>, vector<1x2048x128xf32>
    %get3A_61 = vector.shape_cast %get3A_60 : vector<1x2048x128xf32> to vector<2048x128xf32>
    %dot_general3A_62 = arith.constant dense<0.000000e+00> : vector<272x128xf32>
    %dot_general3A_63 = tpu.matmul %mul3A_56, %get3A_61, %dot_general3A_62 {dimension_numbers = #tpu.dot_dimension_numbers<[1], [0], [0], [1], [0, 0, 1, 1], [], []>, precision = #tpu.contract_precision<fp32>, transpose_lhs_hint = false} : vector<272x2048xf32>, vector<2048x128xf32>, vector<272x128xf32> -> vector<272x128xf32>
    %swap3A_64 = arith.constant 0 : index
    %swap3A_65 = arith.constant 544 : index
    %swap3A_66 = arith.constant 0 : index
    %swap3A_67 = vector.load %arg4[%swap3A_64, %swap3A_65, %swap3A_66] : memref<1x1088x128xf32, #tpu.memory_space<vmem>>, vector<1x272x128xf32>
    %swap3A_68 = vector.shape_cast %swap3A_67 : vector<1x272x128xf32> to vector<272x128xf32>
    %swap3A_69 = vector.shape_cast %dot_general3A_63 : vector<272x128xf32> to vector<1x272x128xf32>
    tpu.vector_store %arg4[%swap3A_64, %swap3A_65, %swap3A_66], %swap3A_69 {strides = array<i32>} : memref<1x1088x128xf32, #tpu.memory_space<vmem>>, vector<1x272x128xf32>,
    %slice3A_70 = vector.extract_strided_slice %reshape3A {offsets = [816, 0], sizes = [272, 1], strides = [1, 1]} : vector<1088x1xi32> to vector<272x1xi32>
    %slice3A_71 = vector.extract_strided_slice %reshape3A_9 {offsets = [816, 0], sizes = [272, 1], strides = [1, 1]} : vector<1088x1xf32> to vector<272x1xf32>
    %eq3A_72 = vector.broadcast %slice3A_70 : vector<272x1xi32> to vector<272x2048xi32>
    %eq3A_73 = vector.broadcast %iota3A : vector<1x2048xi32> to vector<272x2048xi32>
    %eq3A_74 = arith.cmpi eq, %eq3A_72, %eq3A_73 : vector<272x2048xi32>
    %convert_element_type3A_75 = arith.extui %eq3A_74 : vector<272x2048xi1> to vector<272x2048xi32>
    %convert_element_type3A_76 = arith.sitofp %convert_element_type3A_75 : vector<272x2048xi32> to vector<272x2048xf32>
    %mul3A_77 = vector.broadcast %slice3A_71 : vector<272x1xf32> to vector<272x2048xf32>
    %mul3A_78 = arith.mulf %convert_element_type3A_76, %mul3A_77 : vector<272x2048xf32>
    %get3A_79 = arith.constant 0 : index
    %get3A_80 = arith.constant 0 : index
    %get3A_81 = arith.constant 0 : index
    %get3A_82 = vector.load %arg3[%get3A_79, %get3A_80, %get3A_81] : memref<1x2048x128xf32, #tpu.memory_space<vmem>>, vector<1x2048x128xf32>
    %get3A_83 = vector.shape_cast %get3A_82 : vector<1x2048x128xf32> to vector<2048x128xf32>
    %dot_general3A_84 = arith.constant dense<0.000000e+00> : vector<272x128xf32>
    %dot_general3A_85 = tpu.matmul %mul3A_78, %get3A_83, %dot_general3A_84 {dimension_numbers = #tpu.dot_dimension_numbers<[1], [0], [0], [1], [0, 0, 1, 1], [], []>, precision = #tpu.contract_precision<fp32>, transpose_lhs_hint = false} : vector<272x2048xf32>, vector<2048x128xf32>, vector<272x128xf32> -> vector<272x128xf32>
    %swap3A_86 = arith.constant 0 : index
    %swap3A_87 = arith.constant 816 : index
    %swap3A_88 = arith.constant 0 : index
    %swap3A_89 = vector.load %arg4[%swap3A_86, %swap3A_87, %swap3A_88] : memref<1x1088x128xf32, #tpu.memory_space<vmem>>, vector<1x272x128xf32>
    %swap3A_90 = vector.shape_cast %swap3A_89 : vector<1x272x128xf32> to vector<272x128xf32>
    %swap3A_91 = vector.shape_cast %dot_general3A_85 : vector<272x128xf32> to vector<1x272x128xf32>
    tpu.vector_store %arg4[%swap3A_86, %swap3A_87, %swap3A_88], %swap3A_91 {strides = array<i32>} : memref<1x1088x128xf32, #tpu.memory_space<vmem>>, vector<1x272x128xf32>,
    return
  }
  func.func @transform_0(%arg0: i32) -> (i32, i32, i32) {
    %c0_i32 = arith.constant 0 : i32
    %c0_i32_0 = arith.constant 0 : i32
    %c0_i32_1 = arith.constant 0 : i32
    return %arg0, %c0_i32, %c0_i32_0 : i32, i32, i32
  }
  func.func @transform_1(%arg0: i32) -> (i32, i32, i32) {
    %c0_i32 = arith.constant 0 : i32
    %c0_i32_0 = arith.constant 0 : i32
    %c0_i32_1 = arith.constant 0 : i32
    return %arg0, %c0_i32, %c0_i32_0 : i32, i32, i32
  }
  func.func @transform_2(%arg0: i32) -> (i32, i32, i32) {
    %c0_i32 = arith.constant 0 : i32
    %c0_i32_0 = arith.constant 0 : i32
    %c0_i32_1 = arith.constant 0 : i32
    return %arg0, %c0_i32, %c0_i32_0 : i32, i32, i32
  }
  func.func @transform_3(%arg0: i32) -> (i32, i32, i32) {
    %c0_i32 = arith.constant 0 : i32
    %c0_i32_0 = arith.constant 0 : i32
    %c0_i32_1 = arith.constant 0 : i32
    return %arg0, %c0_i32, %c0_i32_0 : i32, i32, i32
  }
}

</mosaic_0001>

<sc_bundles>
// kernel: kernel.5.cloned.1.call-start
scs
__scs_entry_jumppad:
0x0: {  	(pc) =	sbr.rel $0x88, $3  }
0x1: {  	(tag) =	ssettag $0x0;
	lr =	simm.s32 $0x1  }
0x2: {  	[smem:$0x3F9D] =	sst lr;
	_ =	strace $0xD0000000  }
0x3: {  	_ = 	snop  }
0x4: {  	_ = 	snop  }
0x5: {  	_ = 	snop  }
0x6: {  	_ = 	snop  }
0x7: {  	_ = 	snop  }
__scs_overlays_trampoline_lowered:
0x8: {  	[smem:$0x3FAC] =	sst s0  }
0x9: {  	[smem:$0x3FAD] =	sst s1  }
0xa: {  	[smem:$0x3FAE] =	sst s2  }
0xb: {  	[smem:$0x3FAF] =	sst s3  }
0xc: {  	[smem:$0x3FB0] =	sst s4  }
0xd: {  	[smem:$0x3FB1] =	sst s5  }
0xe: {  	[smem:$0x3FB2] =	sst s6  }
0xf: {  	[smem:$0x3FB3] =	sst s7  }
0x10: {  	[smem:$0x3FB4] =	sst s8  }
0x11: {  	[smem:$0x3FB5] =	sst s9;
	s0 =	simm.s32 @!p0 $0x0  }
0x12: {  	s1 =	sld [smem:$0x3F9B];
	s0 =	simm.s32 @p0 $0x1  }
0x13: {  	[smem:$0x3FB6] =	sst s0;
	s0 =	simm.s32 @!p1 $0x0  }
0x14: {  	s2 =	sld [smem:$0x3F9A];
	s0 =	simm.s32 @p1 $0x1  }
0x15: {  	[smem:$0x3FB7] =	sst s0;
	s0 =	simm.s32 @!p2 $0x0  }
0x16: {  	s3 =	sld [smem:$0x3FDB];
	s0 =	simm.s32 @p2 $0x1  }
0x17: {  	s4 =	simm.s32 $0x1BF5;
	[smem:$0x3FB9] =	sst s0  }
0x18: {  	s0 =	sld [smem:$0x3F9C];
	_ =	swait.ge [sflag:s4], $0x0  }
0x19: {  	s7 =	sld [smem:$0x3F9D]  }
0x1a: {  	s8 =	sadd.s32 $0xFFFFE003, lr  }
0x1b: {  	s9 =	sadd.s32 $0xFFFFFEF7, lr;
	s5 =	simm.s32 $0xFFFFFFFF;
	p2 =	slt.u32 s8, $0xFFFFF086  }
0x1c: {  	p1 =	slt.u32 s9, $0xF7A;
	s5 =	simm.s32 @!p2 $0x0  }
0x1d: {  	s5 =	simm.s32 @p1 $0x1;
	p0 =	seq.s32 s7, s2  }
0x1e: {  	s7 =	smul.u32 @!p0 $0xF7A, s2;
	p2 =	seq.s32 @!p0 s5, $0x0  }
0x1f: {  	s9 =	smul.u32 $0xF7A, s1;
	s8 =	simm.s32 @!p0 $0x1BF5;
	p2 =	por !p2, p0  }
0x20: {  	[sflag:s8] =	ssyncset.s32 @!p0 $0xFFFFF086;
	s6 =	sadd.s32 @!p0 s3, s7;
	s7 =	simm.s32 @!p0 $0x108  }
0x21: {  	s3 =	sadd.s32 s3, s9;
	s6 =	sadd.s32 @!p0 $0x88, s6;
	s7 =	simm.s32 @p2 $0x1082  }
0x22: {  	[simem:s7], [sflag:s8] =	dma.local @!p0 [hbm:s6], $0xF7A  }
0x23: {  	s9 =	sor.u32 $0xD0000000, s2;
	s6 =	simm.s32 $0x108;
	_ =	swait.ge @!p0 [sflag:s8], $0x0  }
0x24: {  	s3 =	sadd.s32 $0x88, s3;
	s6 =	simm.s32 @!p1 $0x1082;
	[sflag:s4] =	ssyncset.s32 $0xFFFFF086  }
0x25: {  	[simem:s6], [sflag:s4] =	dma.local [hbm:s3], $0xF7A  }
0x26: {  	[smem:$0x3F9D] =	sst s1;
	(tag) =	ssettag s2;
	_ =	strace s9  }
0x27: {  	s1 =	sld [smem:$0x3FAD]  }
0x28: {  	s2 =	sld [smem:$0x3FAE]  }
0x29: {  	s4 =	sld [smem:$0x3FB0]  }
0x2a: {  	p0 =	seq.s32 s5, $0x0;
	s5 =	sld [smem:$0x3FB1]  }
0x2b: {  	s6 =	sld [smem:$0x3FB2]  }
0x2c: {  	s7 =	sld [smem:$0x3FB3]  }
0x2d: {  	s3 =	simm.s32 $0x108;
	s8 =	sld [smem:$0x3FB4]  }
0x2e: {  	s3 =	simm.s32 @!p0 $0x1082;
	s9 =	sld [smem:$0x3FB5]  }
0x2f: {  	lr =	sadd.s32 s0, s3;
	s0 =	sld [smem:$0x3FAC]  }
0x30: {  	s3 =	sld [smem:$0x3FAF]  }
0x31: {  	[smem:$0x3FB8] =	sst s10  }
0x32: {  	s10 =	sld [smem:$0x3FB6];
	_ =	sdelay $0x3  }
0x33: {  	p0 =	seq.s32 s10, $0x1;
	s10 =	sld [smem:$0x3FB8];
	_ =	sdelay $0x3  }
0x34: {  	[smem:$0x3FB8] =	sst s10  }
0x35: {  	s10 =	sld [smem:$0x3FB7];
	_ =	sdelay $0x3  }
0x36: {  	p1 =	seq.s32 s10, $0x1;
	s10 =	sld [smem:$0x3FB8];
	_ =	sdelay $0x3  }
0x37: {  	[smem:$0x3FB8] =	sst s10  }
0x38: {  	s10 =	sld [smem:$0x3FB9]  }
0x39: {  	_ = 	snop;
	(pc) =	sbr.ind lr, $3  }
0x3a: {  	_ = 	snop  }
0x3b: {  	_ = 	snop  }
0x3c: {  	p2 =	seq.s32 s10, $0x1;
	s10 =	sld [smem:$0x3FB8]  }
0x3d: {  	_ =	shalt  }
0x3e: {  	_ =	shalt  }
0x3f: {  	_ =	shalt  }
0x40: {  	_ =	shalt  }
0x41: {  	_ =	shalt  }
0x42: {  	_ =	shalt  }
0x43: {  	_ =	shalt  }
0x44: {  	_ =	shalt  }
0x45: {  	_ =	shalt  }
0x46: {  	_ =	shalt  }
0x47: {  	_ =	shalt  }
0x48: {  	_ =	shalt  }
0x49: {  	_ =	shalt  }
0x4a: {  	_ =	shalt  }
0x4b: {  	_ =	shalt  }
0x4c: {  	_ =	shalt  }
0x4d: {  	_ =	shalt  }
0x4e: {  	_ =	shalt  }
0x4f: {  	_ =	shalt  }
0x50: {  	_ =	shalt  }
0x51: {  	_ =	shalt  }
0x52: {  	_ =	shalt  }
0x53: {  	_ =	shalt  }
0x54: {  	_ =	shalt  }
0x55: {  	_ =	shalt  }
0x56: {  	_ =	shalt  }
0x57: {  	_ =	shalt  }
0x58: {  	_ =	shalt  }
0x59: {  	_ =	shalt  }
0x5a: {  	_ =	shalt  }
0x5b: {  	_ =	shalt  }
0x5c: {  	_ =	shalt  }
0x5d: {  	_ =	shalt  }
0x5e: {  	_ =	shalt  }
0x5f: {  	_ =	shalt  }
0x60: {  	_ =	shalt  }
0x61: {  	_ =	shalt  }
0x62: {  	_ =	shalt  }
0x63: {  	_ =	shalt  }
0x64: {  	_ =	shalt  }
0x65: {  	_ =	shalt  }
0x66: {  	_ =	shalt  }
0x67: {  	_ =	shalt  }
0x68: {  	_ =	shalt  }
0x69: {  	_ =	shalt  }
0x6a: {  	_ =	shalt  }
0x6b: {  	_ =	shalt  }
0x6c: {  	_ =	shalt  }
0x6d: {  	_ =	shalt  }
0x6e: {  	_ =	shalt  }
0x6f: {  	_ =	shalt  }
0x70: {  	_ =	shalt  }
0x71: {  	_ =	shalt  }
0x72: {  	_ =	shalt  }
0x73: {  	_ =	shalt  }
0x74: {  	_ =	shalt  }
0x75: {  	_ =	shalt  }
0x76: {  	_ =	shalt  }
0x77: {  	_ =	shalt  }
0x78: {  	_ =	shalt  }
0x79: {  	_ =	shalt  }
0x7a: {  	_ =	shalt  }
0x7b: {  	_ =	shalt  }
0x7c: {  	_ =	shalt  }
0x7d: {  	_ =	shalt  }
0x7e: {  	_ =	shalt  }
0x7f: {  	_ =	shalt  }
0x80: {  	_ =	shalt  }
0x81: {  	_ =	shalt  }
0x82: {  	_ =	shalt  }
0x83: {  	_ =	shalt  }
0x84: {  	_ =	shalt  }
0x85: {  	_ =	shalt  }
0x86: {  	_ =	shalt  }
0x87: {  	_ =	shalt  }
.Lfunc_end0:
.L_simem_size_0:
called_computation_lowered:
.L_overlay_start_0:
0x88: {  	s2 =	sld [smem:$0x3FD9]  }
0x89: {  	s3 =	sld [smem:$0x3FFE];
	_ =	sdelay $0x1  }
0x8a: {  	s1 =	srdreg.scid  }
0x8b: {  	s0 =	sand.u32 $0x1, s1  }
0x8c: {  	s14 =	sshll.u32 s0, $0xA;
	s2 =	sadd.s32 s3, s2  }
0x8d: {  	s2 =	sadd.s32 s2, s14  }
0x8e: {  	[smem:$0x3FC4] =	sst s2  }
0x8f: {  	_ = 	snop  }
0x90: {  	s2 =	sld [smem:$0x3FD0];
	_ =	sdelay $0x2  }
0x91: {  	s4 =	simm.s32 $0xA;
	s5 =	simm.s32 $0x10;
	s15 =	sld [smem:$0x3FC9]  }
0x92: {  	[smem:s5], [sflag:s4] =	dma.local [hbm:s2], $0x1  }
0x93: {  	_ =	swait.eq [sflag:s4], $0x1  }
0x94: {  	[sflag:s4] =	ssyncset.done $0x0  }
0x95: {  	[sflag:s4] =	ssyncadd.s32 $0xFFFFFFFF  }
0x96: {  	s16 =	sld [smem:$0x10];
	(tm) =	ssettm $0x1  }
0x97: {  	s17 =	sld [smem:$0x3FFB];
	_ =	sdelay $0x3  }
0x98: {  	_ =	strace s17  }
0x99: {  	s4 =	sld [smem:$0x3FFC];
	_ =	sdelay $0x3  }
0x9a: {  	_ =	strace s4  }
0x9b: {  	s4 =	sld [smem:$0x3FFD];
	_ =	sdelay $0x3  }
0x9c: {  	_ =	strace s4  }
0x9d: {  	_ =	strace $0x8FFFFFFF  }
0x9e: {  	s18 =	sld [smem:$0x3FDB];
	_ =	sdelay $0x1  }
0x9f: {  	s19 =	simm.s32 $_scs_section_size  }
0xa0: {  	s6 =	simm.s32 $_size__tile_overlayer_lowered;
	s7 =	simm.s32 $_tile_overlayer_lowered  }
0xa1: {  	s22 =	simm.s32 $0x1BFF;
	s21 =	sshll.u32 s7, $0x1;
	s4 =	sadd.s32 s19, s18  }
0xa2: {  	s8 =	simm.s32 $0x0;
	s20 =	sshll.u32 s6, $0x1;
	s6 =	sadd.s32 s21, s4  }
0xa3: {  	[timem:s8], [sflag:s22] =	dma.local [hbm:s6], s20  }
0xa4: {  	_ =	swait.ge [sflag:s22], s20  }
0xa5: {  	s5 =	ssub.s32 $0x0, s20;
	[sflag:s22] =	ssyncset.done $0x0  }
0xa6: {  	[sflag:s22] =	ssyncadd.s32 s5;
	_ =	sdelay $0x1  }
0xa7: {  	s23 =	simm.s32 $0x1B8B  }
0xa8: {  	_ =	swait.ge [sflag:s23], $0x1  }
0xa9: {  	[sflag:s23] =	ssyncset.done $0x0  }
0xaa: {  	s25 =	simm.s32 $0x1B8E;
	s24 =	sld [smem:$0x3FFE];
	[sflag:s23] =	ssyncadd.s32 $0xFFFFFFFF  }
0xab: {  	s26 =	simm.s32 $execute0_lowered;
	[smem:$0x3FD2] =	sst s25  }
0xac: {  	s6 =	sshll.u32 s26, $0x1;
	_ =	strace $0x80000046;
	[dreg:$0x1] =	wrdreg $0xFFFFFFFF  }
0xad: {  	s28 =	simm.s32 $_size_execute0_lowered;
	s4 =	sadd.s32 s4, s6;
	[dreg:$0x0] =	wrdreg $0x0  }
0xae: {  	s6 =	sshll.u32 s28, $0x1;
	[dreg:$0x2] =	wrdreg s4  }
0xaf: {  	[dreg:$0x3] =	wrdreg s6  }
0xb0: {  	[dreg:$0x4] =	wrdreg $0xC0  }
0xb1: {  	_ =	task [dreg:s8], $0x5FFFF  }
0xb2: {  	[dreg:$0x1] =	wrdreg $0xFFFFFFFF  }
0xb3: {  	[dreg:$0x0] =	wrdreg $0x60  }
0xb4: {  	[dreg:$0x2] =	wrdreg s15  }
0xb5: {  	[dreg:$0x3] =	wrdreg s24  }
0xb6: {  	[dreg:$0x4] =	wrdreg s16  }
0xb7: {  	[dreg:$0x5] =	wrdreg $0x9  }
0xb8: {  	_ =	task.clear_ibuf [dreg:s8], $0x6FFFF;
	_ =	strace $0x90000046  }
0xb9: {  	s29 =	simm.s32 $0x9;
	_ =	strace $0x80000048  }
0xba: {  	_ =	swait.ge [sflag:s29], $0x1  }
0xbb: {  	[sflag:s29] =	ssyncadd.s32 $0xFFFFFFFF  }
0xbc: {  	_ =	strace $0x90000048  }
0xbd: {  	_ =	sfence  }
0xbe: {  	s30 =	sld [smem:$0x0];
	_ =	sdelay $0x2  }
0xbf: {  	s31 =	sshll.u32 s1, $0xD;
	s1 =	sshrl.u32 s1, $0x2  }
0xc0: {  	s3 =	sand.u32 $0x4000, s31;
	s1 =	sadd.s32 s1, s30  }
0xc1: {  	s0 =	sor.u32 s3, s0;
	s1 =	sshll.u32 s1, $0x11  }
0xc2: {  	s0 =	sor.u32 s1, s0  }
0xc3: {  	s0 =	sadd.s32 $0x8F2B, s0  }
0xc4: {  	[sflag:s0] =	ssyncadd.remote.s32 $0x1  }
0xc5: {  	_ =	sfence.sel $0xFFFF  }
0xc6: {  	[dreg:$0x0] =	wrdreg $0xFFFFFFFF;
	(pc) =	sbr.abs _section_cstart, $3  }
0xc7: {  	[dreg:$0x1] =	wrdreg $0xFFFFFFFF  }
0xc8: {  	_ =	task.clear_ibuf [dreg:s8], $0x2FFFF;
	_ =	strace $0x9FFFFFFF  }
0xc9: {  	(tm) =	ssettm $0x7FFFFFFF  }
tec
execute0_lowered:
.L_overlay_start_1:
0x0: {  	(tag) =	ssettag $0x1  }
0x1: {  	s1 =	rddreg [dreg:$0x0]  }
0x2: {  	s0 =	rddreg [dreg:$0x1]  }
0x3: {  	s3 =	rddreg [dreg:$0x2]  }
0x4: {  	s4 =	stileid.u32;
	s2 =	srdreg.scid  }
0x5: {  	s28 =	simm.s32 $0x2;
	s30 =	simm.s32 $0x3;
	s5 =	sshrl.u32 s4, $0x2  }
0x6: {  	s2 =	sand.u32 $0x1, s2;
	s4 =	sshll.u32 s4, $0x1;
	s10 =	sadd.s32 $0x100, s1  }
0x7: {  	s11 =	sadd.s32 $0x200, s1;
	s12 =	sadd.s32 $0x300, s1;
	s13 =	sadd.s32 $0x400, s1  }
0x8: {  	s14 =	sadd.s32 $0x500, s1;
	s15 =	sadd.s32 $0x600, s1;
	s16 =	sadd.s32 $0x700, s1  }
0x9: {  	s6 =	sor.u32 s2, s4;
	s7 =	sshll.u32 s5, $0x3;
	s4 =	simm.s32 $0x0  }
0xa: {  	s5 =	smul.u32 $0x90, s5;
	s2 =	ssub.s32 $0x2, s2;
	s7 =	ssub.s32 s6, s7  }
0xb: {  	[smem:$0x7FF] =	sst s4;
	s22 =	sshrl.u32 s2, $0x1;
	s6 =	smul.u32 $0x88, s6  }
0xc: {  	s7 =	smul.u32 $0x220, s7;
	_ =	strace $0x80000047;
	s0 =	sadd.s32 s5, s0  }
0xd: {  	s2 =	ssub.s32 s2, s22;
	s22 =	simm.s32 $0x8900;
	s23 =	sadd.s32 $0xC00, s0  }
0xe: {  	s0 =	sadd.s32 $0x1000, s0;
	s25 =	sadd.s32 $0x78, s6;
	s26 =	sshrl.u32 s6, $0x3  }
0xf: {  	s8 =	sadd.s32 $0x8, s6;
	s17 =	smov.u32 s6;
	[dreg:$0x4] =	wrdreg s23  }
0x10: {  	s18 =	sadd.s32 $0x10, s6;
	s31 =	smax.u32 s2, $0x1;
	[dreg:$0x6] =	wrdreg s0  }
0x11: {  	s0 =	sshrl.u32 s25, $0x3;
	s5 =	smul.u32 $0x480, s26;
	[dreg:$0x7] =	wrdreg s8  }
0x12: {  	s24 =	sshra.s32 s7, $0x2;
	[dreg:$0xa] =	wrdreg s31;
	s0 =	smul.u32 $0x480, s0  }
0x13: {  	s6 =	simm.s32 $0x0;
	s25 =	simm.s32 $0x1;
	[dreg:$0x5] =	wrdreg s24  }
0x14: {  	v1 =	vlaneseq.u32;
	s7 =	sadd.s32 $0x480, s24;
	s5 =	sadd.s32 s3, s5;
	s0 =	sadd.s32 s3, s0  }
0x15: {  	v0 =	vand.u32 $0x7, v1;
	v1 =	vshrl.u32 v1, $0x3;
	s24 =	simm.s32 $0x900;
	s29 =	sadd.s32 $0x4800, s5;
	[dreg:$0x8] =	wrdreg s0  }
0x16: {  	vm0 =	vmmov $0xffff;
	v1 =	vmul.u32 $0x8, v1;
	s9 =	smov.u32 s7;
	v2 =	vmov s7;
	[dreg:$0x9] =	wrdreg s29;
	s0 =	simm.s32 $0x4900  }
.LBB2_1:
0x17: {  	[dreg:$0xb] =	wrdreg s6  }
0x18: {  	s2 =	rddreg [dreg:$0x4];
	s5 =	simm.s32 $0x7  }
0x19: {  	[tilespmem:s4], [sflag:$0x7] =	stream.linear.gather [hbm4b:s2+s4], $0x480, $0x38;
	[tilespmem:$0x13500] =	vst v63  }
0x1a: {  	_ =	swait.ge [sflag:s5], $0x480  }
0x1b: {  	[sflag:s5] =	ssyncset.done $0x0  }
0x1c: {  	s29 =	simm.s32 $0x480;
	s26 =	rddreg [dreg:$0x6];
	[sflag:s5] =	ssyncadd.s32 $0xFFFFFB80  }
0x1d: {  	[tilespmem:s29], [sflag:$0x7] =	stream.linear.gather [hbm4b:s26+s4], $0x480, $0x38;
	[tilespmem:$0x13500] =	vst v63  }
0x1e: {  	_ =	swait.ge [sflag:s5], $0x480  }
0x1f: {  	[sflag:s5] =	ssyncset.done $0x0  }
0x20: {  	s2 =	rddreg [dreg:$0x5];
	[sflag:s5] =	ssyncadd.s32 $0xFFFFFB80  }
0x21: {  	v3 =	vld.msk [tilespmem:s2+$0x480], $0xff;
	_ =	sdelay $0x4  }
0x22: {  	v4 =	vshll.u32 v3, $0x4  }
0x23: {  	v3 =	vand.u32 $0x7, v3;
	v4 =	vand.u32 $0xFFFFFF80, v4  }
0x24: {  	v3 =	vor.u32 v3, v4  }
0x25: {  	v3 =	vperm.xlane v3, v0;
	_ =	sdelay $0x1  }
0x26: {  	v3 =	vadd.s32 v1, v3;
	_ =	sdelay $0x4  }
0x27: {  	[tilespmem:s24], [sflag:$0x1] =	stream.indirect_vreg.gather [hbm4b:s1+s4], $0x80, v3, vm0, $0xb8;
	[tilespmem:$0x13500] =	vst v63  }
0x28: {  	s31 =	simm.s32 $0x1100  }
0x29: {  	[tilespmem:s31], [sflag:$0x1] =	stream.indirect_vreg.gather [hbm4b:s10+s4], $0x80, v3, vm0, $0xb8;
	[tilespmem:$0x13500] =	vst v63  }
0x2a: {  	s6 =	simm.s32 $0x1900  }
0x2b: {  	[tilespmem:s6], [sflag:$0x1] =	stream.indirect_vreg.gather [hbm4b:s11+s4], $0x80, v3, vm0, $0xb8;
	[tilespmem:$0x13500] =	vst v63  }
0x2c: {  	s7 =	simm.s32 $0x2100  }
0x2d: {  	[tilespmem:s7], [sflag:$0x1] =	stream.indirect_vreg.gather [hbm4b:s12+s4], $0x80, v3, vm0, $0xb8;
	[tilespmem:$0x13500] =	vst v63  }
0x2e: {  	s8 =	simm.s32 $0x2900  }
0x2f: {  	[tilespmem:s8], [sflag:$0x1] =	stream.indirect_vreg.gather [hbm4b:s13+s4], $0x80, v3, vm0, $0xb8;
	[tilespmem:$0x13500] =	vst v63  }
0x30: {  	s19 =	simm.s32 $0x3100  }
0x31: {  	[tilespmem:s19], [sflag:$0x1] =	stream.indirect_vreg.gather [hbm4b:s14+s4], $0x80, v3, vm0, $0xb8;
	[tilespmem:$0x13500] =	vst v63  }
0x32: {  	s20 =	simm.s32 $0x3900  }
0x33: {  	[tilespmem:s20], [sflag:$0x1] =	stream.indirect_vreg.gather [hbm4b:s15+s4], $0x80, v3, vm0, $0xb8;
	[tilespmem:$0x13500] =	vst v63  }
0x34: {  	s21 =	simm.s32 $0x4100  }
0x35: {  	[tilespmem:s21], [sflag:$0x1] =	stream.indirect_vreg.gather [hbm4b:s16+s4], $0x80, v3, vm0, $0xb8;
	[tilespmem:$0x13500] =	vst v63  }
0x36: {  	v3 =	vld.msk [tilespmem:s2+$0x488], $0xff;
	_ =	sdelay $0x4  }
0x37: {  	v62 =	vshll.u32 v3, $0x4  }
0x38: {  	v3 =	vand.u32 $0x7, v3;
	v4 =	vand.u32 $0xFFFFFF80, v62  }
0x39: {  	v3 =	vor.u32 v3, v4  }
0x3a: {  	v3 =	vperm.xlane v3, v0;
	_ =	sdelay $0x1  }
0x3b: {  	v3 =	vadd.s32 v1, v3;
	_ =	sdelay $0x4  }
0x3c: {  	[tilespmem:s0], [sflag:$0x2] =	stream.indirect_vreg.gather [hbm4b:s1+s4], $0x80, v3, vm0, $0xb8;
	[tilespmem:$0x13500] =	vst v63  }
0x3d: {  	s23 =	simm.s32 $0x5100  }
0x3e: {  	[tilespmem:s23], [sflag:$0x2] =	stream.indirect_vreg.gather [hbm4b:s10+s4], $0x80, v3, vm0, $0xb8;
	[tilespmem:$0x13500] =	vst v63  }
0x3f: {  	s26 =	simm.s32 $0x5900  }
0x40: {  	[tilespmem:s26], [sflag:$0x2] =	stream.indirect_vreg.gather [hbm4b:s11+s4], $0x80, v3, vm0, $0xb8;
	[tilespmem:$0x13500] =	vst v63  }
0x41: {  	s29 =	simm.s32 $0x6100  }
0x42: {  	[tilespmem:s29], [sflag:$0x2] =	stream.indirect_vreg.gather [hbm4b:s12+s4], $0x80, v3, vm0, $0xb8;
	[tilespmem:$0x13500] =	vst v63  }
0x43: {  	s31 =	simm.s32 $0x6900  }
0x44: {  	[tilespmem:s31], [sflag:$0x2] =	stream.indirect_vreg.gather [hbm4b:s13+s4], $0x80, v3, vm0, $0xb8;
	[tilespmem:$0x13500] =	vst v63  }
0x45: {  	s6 =	simm.s32 $0x7100  }
0x46: {  	[tilespmem:s6], [sflag:$0x2] =	stream.indirect_vreg.gather [hbm4b:s14+s4], $0x80, v3, vm0, $0xb8;
	[tilespmem:$0x13500] =	vst v63  }
0x47: {  	s7 =	simm.s32 $0x7900  }
0x48: {  	[tilespmem:s7], [sflag:$0x2] =	stream.indirect_vreg.gather [hbm4b:s15+s4], $0x80, v3, vm0, $0xb8;
	[tilespmem:$0x13500] =	vst v63  }
0x49: {  	s8 =	simm.s32 $0x8100  }
0x4a: {  	[tilespmem:s8], [sflag:$0x2] =	stream.indirect_vreg.gather [hbm4b:s16+s4], $0x80, v3, vm0, $0xb8;
	[tilespmem:$0x13500] =	vst v63  }
0x4b: {  	v3 =	vld.msk [tilespmem:s2+$0x490], $0xff;
	_ =	sdelay $0x4  }
0x4c: {  	v63 =	vshll.u32 v3, $0x4  }
0x4d: {  	v3 =	vand.u32 $0x7, v3;
	v4 =	vand.u32 $0xFFFFFF80, v63  }
0x4e: {  	v3 =	vor.u32 v3, v4  }
0x4f: {  	v3 =	vperm.xlane v3, v0;
	_ =	sdelay $0x1  }
0x50: {  	v3 =	vadd.s32 v1, v3;
	_ =	sdelay $0x4  }
0x51: {  	[tilespmem:s22], [sflag:$0x3] =	stream.indirect_vreg.gather [hbm4b:s1+s4], $0x80, v3, vm0, $0xb8;
	[tilespmem:$0x13500] =	vst v63  }
0x52: {  	s19 =	simm.s32 $0x9100  }
0x53: {  	[tilespmem:s19], [sflag:$0x3] =	stream.indirect_vreg.gather [hbm4b:s10+s4], $0x80, v3, vm0, $0xb8;
	[tilespmem:$0x13500] =	vst v63  }
0x54: {  	s20 =	simm.s32 $0x9900  }
0x55: {  	[tilespmem:s20], [sflag:$0x3] =	stream.indirect_vreg.gather [hbm4b:s11+s4], $0x80, v3, vm0, $0xb8;
	[tilespmem:$0x13500] =	vst v63  }
0x56: {  	s21 =	simm.s32 $0xA100  }
0x57: {  	[tilespmem:s21], [sflag:$0x3] =	stream.indirect_vreg.gather [hbm4b:s12+s4], $0x80, v3, vm0, $0xb8;
	[tilespmem:$0x13500] =	vst v63  }
0x58: {  	s23 =	simm.s32 $0xA900  }
0x59: {  	[tilespmem:s23], [sflag:$0x3] =	stream.indirect_vreg.gather [hbm4b:s13+s4], $0x80, v3, vm0, $0xb8;
	[tilespmem:$0x13500] =	vst v63  }
0x5a: {  	s26 =	simm.s32 $0xB100  }
0x5b: {  	[tilespmem:s26], [sflag:$0x3] =	stream.indirect_vreg.gather [hbm4b:s14+s4], $0x80, v3, vm0, $0xb8;
	[tilespmem:$0x13500] =	vst v63  }
0x5c: {  	s29 =	simm.s32 $0xB900  }
0x5d: {  	[tilespmem:s29], [sflag:$0x3] =	stream.indirect_vreg.gather [hbm4b:s15+s4], $0x80, v3, vm0, $0xb8;
	[tilespmem:$0x13500] =	vst v63  }
0x5e: {  	s31 =	simm.s32 $0xC100;
	s2 =	simm.s32 $0x0  }
0x5f: {  	[tilespmem:s31], [sflag:$0x3] =	stream.indirect_vreg.gather [hbm4b:s16+s4], $0x80, v3, vm0, $0xb8;
	[tilespmem:$0x13500] =	vst v63  }
.LBB2_2:
0x60: {  	p0 =	seq.s32 s2, $0x0  }
0x61: {  	s5 =	simm.s32 @!p0 $0x4  }
0x62: {  	_ =	swait.ge @!p0 [sflag:s5], $0x2400  }
0x63: {  	[sflag:s5] =	ssyncset.done @!p0 $0x0  }
0x64: {  	[sflag:s5] =	ssyncadd.s32 @!p0 $0xFFFFDC00  }
0x65: {  	_ =	swait.ge [sflag:s25], $0x4000  }
0x66: {  	[sflag:s25] =	ssyncset.done $0x0  }
0x67: {  	s5 =	simm.s32 $0x0;
	[sflag:s25] =	ssyncadd.s32 $0xFFFFC000  }
0x68: {  	v3 =	vld [tilespmem:s5+$0x0];
	_ =	sdelay $0x4  }
0x69: {  	v4 =	vshll.u32 v3, $0x3  }
0x6a: {  	v3 =	vand.u32 $0x7F, v3;
	v4 =	vand.u32 $0xFFFFFC00, v4  }
0x6b: {  	v3 =	vor.u32 v3, v4  }
0x6c: {  	v5 =	vor.u32 $0x80, v3  }
0x6d: {  	v6 =	vor.u32 $0x300, v3  }
0x6e: {  	v7 =	vor.u32 $0x380, v3  }
0x6f: {  	v8 =	vor.u32 $0x280, v3  }
0x70: {  	v10 =	vor.u32 $0x100, v3;
	v4 =	vld.idx.msk [tilespmem:v3+s24+$0x0], $0xffff  }
0x71: {  	v11 =	vor.u32 $0x180, v3;
	v9 =	vld.idx.msk [tilespmem:v5+s24+$0x0], $0xffff  }
0x72: {  	v12 =	vor.u32 $0x200, v3;
	v5 =	vld.idx.msk [tilespmem:v6+s24+$0x0], $0xffff  }
0x73: {  	v3 =	vld.idx.msk [tilespmem:v7+s24+$0x0], $0xffff  }
0x74: {  	v8 =	vld.idx.msk [tilespmem:v8+s24+$0x0], $0xffff  }
0x75: {  	s7 =	simm.s32 $0x10;
	s20 =	simm.s32 $0x0;
	s6 =	sand.u32 $0x7, s5;
	v7 =	vld.idx.msk [tilespmem:v10+s24+$0x0], $0xffff  }
0x76: {  	s31 =	sand.u32 $0x70, s5;
	s19 =	sand.u32 $0x3C00, s5;
	s6 =	sshll.u32 s6, $0x4;
	v6 =	vld.idx.msk [tilespmem:v11+s24+$0x0], $0xffff  }
0x77: {  	s21 =	sor.u32 s31, s19;
	s19 =	simm.s32 $0x0;
	s23 =	sadd.s32 $0x0, s6;
	v10 =	vld.idx.msk [tilespmem:v12+s24+$0x0], $0xffff  }
.LBB2_3:
0x78: {  	s5 =	sadd.s32 $0x80, s5  }
0x79: {  	[tilespmem:s21+$0xC980] =	vst v9;
	s19 =	sadd.s32 $0x1, s19;
	s20 =	sadd.s32 $0x10, s20;
	s6 =	smov.u32 s7  }
0x7a: {  	p1 =	sne.s32 s7, $0x430;
	s7 =	sadd.s32 $0x10, s7;
	s26 =	sand.u32 $0x7, s19;
	[tilespmem:s21+$0xC900] =	vst v4  }
0x7b: {  	s26 =	sshll.u32 s26, $0x4;
	[tilespmem:s21+$0xCB80] =	vst v8  }
0x7c: {  	s26 =	sadd.s32 s26, s5;
	[tilespmem:s21+$0xCC00] =	vst v5  }
0x7d: {  	[tilespmem:s21+$0xCA00] =	vst v7  }
0x7e: {  	s31 =	sor.u32 $0x380, s23;
	s23 =	smov.u32 s26;
	[tilespmem:s21+$0xCB00] =	vst v10  }
0x7f: {  	[tilespmem:s21+$0xCA80] =	vst v6  }
0x80: {  	[tilespmem:s31+$0xC900] =	vst v3  }
0x81: {  	v3 =	vld [tilespmem:s20+$0x0];
	_ =	sdelay $0x4  }
0x82: {  	v4 =	vshll.u32 v3, $0x3  }
0x83: {  	v3 =	vand.u32 $0x7F, v3;
	v4 =	vand.u32 $0xFFFFFC00, v4  }
0x84: {  	v3 =	vor.u32 v3, v4  }
0x85: {  	v5 =	vor.u32 $0x80, v3;
	v6 =	vor.u32 $0x100, v3;
	v7 =	vor.u32 $0x300, v3  }
0x86: {  	v10 =	vor.u32 $0x180, v3;
	v11 =	vor.u32 $0x200, v3;
	v8 =	vor.u32 $0x280, v3  }
0x87: {  	v12 =	vor.u32 $0x380, v3;
	_ =	sdelay $0x1  }
0x88: {  	v4 =	vld.idx.msk [tilespmem:v3+s24+$0x0], $0xffff  }
0x89: {  	v9 =	vld.idx.msk [tilespmem:v5+s24+$0x0], $0xffff  }
0x8a: {  	v5 =	vld.idx.msk [tilespmem:v7+s24+$0x0], $0xffff  }
.Ltmp0:
0x8b: {  	v3 =	vld.idx.msk [tilespmem:v12+s24+$0x0], $0xffff;
	(pc) =	sbr.rel @p1 .LBB2_3-.Ltmp0, $4  }
0x8c: {  	v8 =	vld.idx.msk [tilespmem:v8+s24+$0x0], $0xffff  }
0x8d: {  	v7 =	vld.idx.msk [tilespmem:v6+s24+$0x0], $0xffff  }
0x8e: {  	s6 =	sand.u32 $0x70, s6;
	s21 =	sand.u32 $0x3C00, s5;
	v6 =	vld.idx.msk [tilespmem:v10+s24+$0x0], $0xffff  }
0x8f: {  	s21 =	sor.u32 s6, s21;
	v10 =	vld.idx.msk [tilespmem:v11+s24+$0x0], $0xffff  }
0x90: {  	[tilespmem:s21+$0xC980] =	vst v9  }
0x91: {  	[tilespmem:s21+$0xC900] =	vst v4  }
0x92: {  	[tilespmem:s21+$0xCC00] =	vst v5  }
0x93: {  	[tilespmem:s21+$0xCB80] =	vst v8  }
0x94: {  	[tilespmem:s21+$0xCA00] =	vst v7  }
0x95: {  	s5 =	smul.u32 $0x60, s2;
	[tilespmem:s21+$0xCA80] =	vst v6  }
0x96: {  	s6 =	sor.u32 $0x380, s23;
	[tilespmem:s21+$0xCB00] =	vst v10  }
0x97: {  	[tilespmem:s6+$0xC900] =	vst v3;
	s6 =	sshra.s32 s5, $0x2  }
0x98: {  	v3 =	vld.idx.msk [tilespmem:v2+s6+$0x18 ss:$0x1], $0xff;
	_ =	sdelay $0x4  }
0x99: {  	v4 =	vshll.u32 v3, $0x4  }
0x9a: {  	v3 =	vand.u32 $0x7, v3;
	v4 =	vand.u32 $0xFFFFFF80, v4  }
0x9b: {  	v3 =	vor.u32 v3, v4  }
0x9c: {  	v3 =	vperm.xlane v3, v0;
	_ =	sdelay $0x1  }
0x9d: {  	v3 =	vadd.s32 v1, v3;
	_ =	sdelay $0x4  }
0x9e: {  	[tilespmem:s24], [sflag:$0x1] =	stream.indirect_vreg.gather [hbm4b:s1+s4], $0x80, v3, vm0, $0xb8;
	[tilespmem:$0x13500] =	vst v63  }
0x9f: {  	s21 =	simm.s32 $0x1100  }
0xa0: {  	[tilespmem:s21], [sflag:$0x1] =	stream.indirect_vreg.gather [hbm4b:s10+s4], $0x80, v3, vm0, $0xb8;
	[tilespmem:$0x13500] =	vst v63  }
0xa1: {  	s23 =	simm.s32 $0x1900  }
0xa2: {  	[tilespmem:s23], [sflag:$0x1] =	stream.indirect_vreg.gather [hbm4b:s11+s4], $0x80, v3, vm0, $0xb8;
	[tilespmem:$0x13500] =	vst v63  }
0xa3: {  	s26 =	simm.s32 $0x2100  }
0xa4: {  	[tilespmem:s26], [sflag:$0x1] =	stream.indirect_vreg.gather [hbm4b:s12+s4], $0x80, v3, vm0, $0xb8;
	[tilespmem:$0x13500] =	vst v63  }
0xa5: {  	s29 =	simm.s32 $0x2900;
	s31 =	smul.u32 $0x18, s2  }
0xa6: {  	[tilespmem:s29], [sflag:$0x1] =	stream.indirect_vreg.gather [hbm4b:s13+s4], $0x80, v3, vm0, $0xb8;
	[tilespmem:$0x13500] =	vst v63  }
0xa7: {  	s7 =	simm.s32 $0x3100;
	s19 =	sadd.s32 s17, s31  }
0xa8: {  	[tilespmem:s7], [sflag:$0x1] =	stream.indirect_vreg.gather [hbm4b:s14+s4], $0x80, v3, vm0, $0xb8;
	[tilespmem:$0x13500] =	vst v63  }
0xa9: {  	s8 =	simm.s32 $0x3900;
	s5 =	sshrl.u32 s19, $0x3  }
0xaa: {  	[tilespmem:s8], [sflag:$0x1] =	stream.indirect_vreg.gather [hbm4b:s15+s4], $0x80, v3, vm0, $0xb8;
	[tilespmem:$0x13500] =	vst v63  }
0xab: {  	s5 =	smul.u32 $0x480, s5;
	s7 =	simm.s32 $0x4100  }
0xac: {  	[tilespmem:s7], [sflag:$0x1] =	stream.indirect_vreg.gather [hbm4b:s16+s4], $0x80, v3, vm0, $0xb8;
	[tilespmem:$0x13500] =	vst v63  }
0xad: {  	s20 =	simm.s32 $0xC900;
	s5 =	sadd.s32 s3, s5  }
0xae: {  	[hbm4b:s5+s4] =	stream.linear.scatter [tilespmem:s20], [sflag:$0x4], $0x2400, $0x38;
	[tilespmem:$0x13500] =	vst v63  }
0xaf: {  	s5 =	simm.s32 @!p0 $0x5  }
0xb0: {  	_ =	swait.ge @!p0 [sflag:s5], $0x2400  }
0xb1: {  	[sflag:s5] =	ssyncset.done @!p0 $0x0  }
0xb2: {  	[sflag:s5] =	ssyncadd.s32 @!p0 $0xFFFFDC00  }
0xb3: {  	_ =	swait.ge [sflag:s28], $0x4000  }
0xb4: {  	[sflag:s28] =	ssyncset.done $0x0  }
0xb5: {  	s5 =	simm.s32 $0x0;
	[sflag:s28] =	ssyncadd.s32 $0xFFFFC000  }
0xb6: {  	v3 =	vld [tilespmem:s5+$0x0];
	_ =	sdelay $0x4  }
0xb7: {  	v4 =	vshll.u32 v3, $0x3  }
0xb8: {  	v3 =	vand.u32 $0x7F, v3;
	v4 =	vand.u32 $0xFFFFFC00, v4  }
0xb9: {  	v3 =	vor.u32 v3, v4  }
0xba: {  	v5 =	vor.u32 $0x80, v3  }
0xbb: {  	v6 =	vor.u32 $0x300, v3  }
0xbc: {  	v7 =	vor.u32 $0x380, v3  }
0xbd: {  	v8 =	vor.u32 $0x280, v3  }
0xbe: {  	v10 =	vor.u32 $0x100, v3;
	v4 =	vld.idx.msk [tilespmem:v3+s0+$0x0], $0xffff  }
0xbf: {  	v11 =	vor.u32 $0x180, v3;
	v9 =	vld.idx.msk [tilespmem:v5+s0+$0x0], $0xffff  }
0xc0: {  	v12 =	vor.u32 $0x200, v3;
	v5 =	vld.idx.msk [tilespmem:v6+s0+$0x0], $0xffff  }
0xc1: {  	v3 =	vld.idx.msk [tilespmem:v7+s0+$0x0], $0xffff  }
0xc2: {  	s19 =	simm.s32 $0x10;
	v8 =	vld.idx.msk [tilespmem:v8+s0+$0x0], $0xffff  }
0xc3: {  	s21 =	sand.u32 $0x7, s5;
	s29 =	sand.u32 $0x70, s5;
	s20 =	sand.u32 $0x3C00, s5;
	v7 =	vld.idx.msk [tilespmem:v10+s0+$0x0], $0xffff  }
0xc4: {  	s23 =	sadd.s32 s6, s9;
	s26 =	sshll.u32 s21, $0x4;
	s6 =	sor.u32 s29, s20;
	v6 =	vld.idx.msk [tilespmem:v11+s0+$0x0], $0xffff  }
0xc5: {  	s20 =	simm.s32 $0x0;
	s21 =	simm.s32 $0x0;
	s7 =	sadd.s32 $0x0, s26;
	v10 =	vld.idx.msk [tilespmem:v12+s0+$0x0], $0xffff  }
.LBB2_5:
0xc6: {  	s5 =	sadd.s32 $0x80, s5  }
0xc7: {  	[tilespmem:s6+$0xED80] =	vst v9;
	s20 =	sadd.s32 $0x1, s20;
	s21 =	sadd.s32 $0x10, s21;
	s26 =	smov.u32 s19  }
0xc8: {  	p1 =	sne.s32 s19, $0x430;
	s19 =	sadd.s32 $0x10, s19;
	s29 =	sand.u32 $0x7, s20;
	[tilespmem:s6+$0xED00] =	vst v4  }
0xc9: {  	s29 =	sshll.u32 s29, $0x4;
	[tilespmem:s6+$0xEF80] =	vst v8  }
0xca: {  	s29 =	sadd.s32 s29, s5;
	[tilespmem:s6+$0xF000] =	vst v5  }
0xcb: {  	[tilespmem:s6+$0xEE00] =	vst v7  }
0xcc: {  	s8 =	sor.u32 $0x380, s7;
	s7 =	smov.u32 s29;
	[tilespmem:s6+$0xEF00] =	vst v10  }
0xcd: {  	[tilespmem:s6+$0xEE80] =	vst v6  }
0xce: {  	[tilespmem:s8+$0xED00] =	vst v3  }
0xcf: {  	v3 =	vld [tilespmem:s21+$0x0];
	_ =	sdelay $0x4  }
0xd0: {  	v4 =	vshll.u32 v3, $0x3  }
0xd1: {  	v3 =	vand.u32 $0x7F, v3;
	v4 =	vand.u32 $0xFFFFFC00, v4  }
0xd2: {  	v3 =	vor.u32 v3, v4  }
0xd3: {  	v5 =	vor.u32 $0x80, v3;
	v6 =	vor.u32 $0x100, v3;
	v7 =	vor.u32 $0x300, v3  }
0xd4: {  	v10 =	vor.u32 $0x180, v3;
	v11 =	vor.u32 $0x200, v3;
	v8 =	vor.u32 $0x280, v3  }
0xd5: {  	v12 =	vor.u32 $0x380, v3;
	_ =	sdelay $0x1  }
0xd6: {  	v4 =	vld.idx.msk [tilespmem:v3+s0+$0x0], $0xffff  }
0xd7: {  	v9 =	vld.idx.msk [tilespmem:v5+s0+$0x0], $0xffff  }
0xd8: {  	v5 =	vld.idx.msk [tilespmem:v7+s0+$0x0], $0xffff  }
.Ltmp1:
0xd9: {  	v3 =	vld.idx.msk [tilespmem:v12+s0+$0x0], $0xffff;
	(pc) =	sbr.rel @p1 .LBB2_5-.Ltmp1, $4  }
0xda: {  	v8 =	vld.idx.msk [tilespmem:v8+s0+$0x0], $0xffff  }
0xdb: {  	v7 =	vld.idx.msk [tilespmem:v6+s0+$0x0], $0xffff  }
0xdc: {  	s6 =	sand.u32 $0x70, s26;
	s8 =	sand.u32 $0x3C00, s5;
	v6 =	vld.idx.msk [tilespmem:v10+s0+$0x0], $0xffff  }
0xdd: {  	s6 =	sor.u32 s6, s8;
	v10 =	vld.idx.msk [tilespmem:v11+s0+$0x0], $0xffff  }
0xde: {  	[tilespmem:s6+$0xED80] =	vst v9  }
0xdf: {  	[tilespmem:s6+$0xED00] =	vst v4  }
0xe0: {  	[tilespmem:s6+$0xF000] =	vst v5  }
0xe1: {  	[tilespmem:s6+$0xEF80] =	vst v8  }
0xe2: {  	[tilespmem:s6+$0xEE00] =	vst v7  }
0xe3: {  	[tilespmem:s6+$0xEE80] =	vst v6  }
0xe4: {  	s5 =	sor.u32 $0x380, s7;
	[tilespmem:s6+$0xEF00] =	vst v10  }
0xe5: {  	[tilespmem:s5+$0xED00] =	vst v3  }
0xe6: {  	v3 =	vld.msk [tilespmem:s23+$0x20], $0xff;
	_ =	sdelay $0x4  }
0xe7: {  	v4 =	vshll.u32 v3, $0x4  }
0xe8: {  	v3 =	vand.u32 $0x7, v3;
	v4 =	vand.u32 $0xFFFFFF80, v4  }
0xe9: {  	v3 =	vor.u32 v3, v4  }
0xea: {  	v3 =	vperm.xlane v3, v0;
	_ =	sdelay $0x1  }
0xeb: {  	v3 =	vadd.s32 v1, v3;
	_ =	sdelay $0x4  }
0xec: {  	[tilespmem:s0], [sflag:$0x2] =	stream.indirect_vreg.gather [hbm4b:s1+s4], $0x80, v3, vm0, $0xb8;
	[tilespmem:$0x13500] =	vst v63  }
0xed: {  	s26 =	simm.s32 $0x5100  }
0xee: {  	[tilespmem:s26], [sflag:$0x2] =	stream.indirect_vreg.gather [hbm4b:s10+s4], $0x80, v3, vm0, $0xb8;
	[tilespmem:$0x13500] =	vst v63  }
0xef: {  	s29 =	simm.s32 $0x5900  }
0xf0: {  	[tilespmem:s29], [sflag:$0x2] =	stream.indirect_vreg.gather [hbm4b:s11+s4], $0x80, v3, vm0, $0xb8;
	[tilespmem:$0x13500] =	vst v63  }
0xf1: {  	s6 =	simm.s32 $0x6100  }
0xf2: {  	[tilespmem:s6], [sflag:$0x2] =	stream.indirect_vreg.gather [hbm4b:s12+s4], $0x80, v3, vm0, $0xb8;
	[tilespmem:$0x13500] =	vst v63  }
0xf3: {  	s7 =	simm.s32 $0x6900;
	s20 =	rddreg [dreg:$0x7]  }
0xf4: {  	[tilespmem:s7], [sflag:$0x2] =	stream.indirect_vreg.gather [hbm4b:s13+s4], $0x80, v3, vm0, $0xb8;
	[tilespmem:$0x13500] =	vst v63  }
0xf5: {  	s8 =	simm.s32 $0x7100;
	s5 =	sadd.s32 s20, s31  }
0xf6: {  	[tilespmem:s8], [sflag:$0x2] =	stream.indirect_vreg.gather [hbm4b:s14+s4], $0x80, v3, vm0, $0xb8;
	[tilespmem:$0x13500] =	vst v63  }
0xf7: {  	s19 =	simm.s32 $0x7900;
	s5 =	sshrl.u32 s5, $0x3  }
0xf8: {  	[tilespmem:s19], [sflag:$0x2] =	stream.indirect_vreg.gather [hbm4b:s15+s4], $0x80, v3, vm0, $0xb8;
	[tilespmem:$0x13500] =	vst v63  }
0xf9: {  	s21 =	simm.s32 $0x8100;
	s5 =	smul.u32 $0x480, s5  }
0xfa: {  	[tilespmem:s21], [sflag:$0x2] =	stream.indirect_vreg.gather [hbm4b:s16+s4], $0x80, v3, vm0, $0xb8;
	[tilespmem:$0x13500] =	vst v63  }
0xfb: {  	s5 =	sadd.s32 s3, s5;
	s26 =	simm.s32 $0xED00  }
0xfc: {  	[hbm4b:s5+s4] =	stream.linear.scatter [tilespmem:s26], [sflag:$0x5], $0x2400, $0x38;
	[tilespmem:$0x13500] =	vst v63  }
0xfd: {  	s5 =	simm.s32 @!p0 $0x6  }
0xfe: {  	_ =	swait.ge @!p0 [sflag:s5], $0x2400  }
0xff: {  	[sflag:s5] =	ssyncset.done @!p0 $0x0  }
0x100: {  	[sflag:s5] =	ssyncadd.s32 @!p0 $0xFFFFDC00  }
0x101: {  	_ =	swait.ge [sflag:s30], $0x4000  }
0x102: {  	[sflag:s30] =	ssyncset.done $0x0  }
0x103: {  	s5 =	simm.s32 $0x0;
	[sflag:s30] =	ssyncadd.s32 $0xFFFFC000  }
0x104: {  	v3 =	vld [tilespmem:s5+$0x0];
	_ =	sdelay $0x4  }
0x105: {  	v4 =	vshll.u32 v3, $0x3  }
0x106: {  	v3 =	vand.u32 $0x7F, v3;
	v4 =	vand.u32 $0xFFFFFC00, v4  }
0x107: {  	v3 =	vor.u32 v3, v4  }
0x108: {  	v5 =	vor.u32 $0x80, v3  }
0x109: {  	v6 =	vor.u32 $0x300, v3  }
0x10a: {  	v7 =	vor.u32 $0x380, v3  }
0x10b: {  	v8 =	vor.u32 $0x280, v3  }
0x10c: {  	v10 =	vor.u32 $0x100, v3;
	v4 =	vld.idx.msk [tilespmem:v3+s22+$0x0], $0xffff  }
0x10d: {  	v11 =	vor.u32 $0x180, v3;
	v9 =	vld.idx.msk [tilespmem:v5+s22+$0x0], $0xffff  }
0x10e: {  	v12 =	vor.u32 $0x200, v3;
	v5 =	vld.idx.msk [tilespmem:v6+s22+$0x0], $0xffff  }
0x10f: {  	v3 =	vld.idx.msk [tilespmem:v7+s22+$0x0], $0xffff  }
0x110: {  	s19 =	simm.s32 $0x10;
	v8 =	vld.idx.msk [tilespmem:v8+s22+$0x0], $0xffff  }
0x111: {  	s29 =	sand.u32 $0x7, s5;
	s8 =	sand.u32 $0x70, s5;
	s20 =	sand.u32 $0x3C00, s5;
	v7 =	vld.idx.msk [tilespmem:v10+s22+$0x0], $0xffff  }
0x112: {  	s21 =	simm.s32 $0x0;
	s6 =	sshll.u32 s29, $0x4;
	s26 =	sor.u32 s8, s20;
	v6 =	vld.idx.msk [tilespmem:v11+s22+$0x0], $0xffff  }
0x113: {  	s20 =	simm.s32 $0x0;
	s7 =	sadd.s32 $0x0, s6;
	s6 =	sadd.s32 $0x11100, s26;
	v10 =	vld.idx.msk [tilespmem:v12+s22+$0x0], $0xffff  }
.LBB2_7:
0x114: {  	s5 =	sadd.s32 $0x80, s5  }
0x115: {  	[tilespmem:s6+$0x80] =	vst v9;
	s20 =	sadd.s32 $0x1, s20;
	s21 =	sadd.s32 $0x10, s21;
	s8 =	smov.u32 s19  }
0x116: {  	p0 =	sne.s32 s19, $0x430;
	s19 =	sadd.s32 $0x10, s19;
	s29 =	sand.u32 $0x7, s20;
	[tilespmem:s26+$0x11100] =	vst v4  }
0x117: {  	s26 =	sshll.u32 s29, $0x4;
	[tilespmem:s6+$0x280] =	vst v8  }
0x118: {  	s26 =	sadd.s32 s26, s5;
	[tilespmem:s6+$0x300] =	vst v5  }
0x119: {  	[tilespmem:s6+$0x100] =	vst v7  }
0x11a: {  	s29 =	sor.u32 $0x380, s7;
	s7 =	smov.u32 s26;
	[tilespmem:s6+$0x200] =	vst v10  }
0x11b: {  	[tilespmem:s6+$0x180] =	vst v6  }
0x11c: {  	[tilespmem:s29+$0x11100] =	vst v3  }
0x11d: {  	v3 =	vld [tilespmem:s21+$0x0];
	_ =	sdelay $0x4  }
0x11e: {  	v4 =	vshll.u32 v3, $0x3  }
0x11f: {  	v3 =	vand.u32 $0x7F, v3;
	v4 =	vand.u32 $0xFFFFFC00, v4  }
0x120: {  	v3 =	vor.u32 v3, v4  }
0x121: {  	v5 =	vor.u32 $0x80, v3;
	v6 =	vor.u32 $0x100, v3;
	v7 =	vor.u32 $0x300, v3  }
0x122: {  	v10 =	vor.u32 $0x180, v3;
	v11 =	vor.u32 $0x200, v3;
	v8 =	vor.u32 $0x280, v3  }
0x123: {  	v12 =	vor.u32 $0x380, v3;
	_ =	sdelay $0x1  }
0x124: {  	v4 =	vld.idx.msk [tilespmem:v3+s22+$0x0], $0xffff  }
0x125: {  	v9 =	vld.idx.msk [tilespmem:v5+s22+$0x0], $0xffff  }
0x126: {  	v5 =	vld.idx.msk [tilespmem:v7+s22+$0x0], $0xffff  }
.Ltmp2:
0x127: {  	v3 =	vld.idx.msk [tilespmem:v12+s22+$0x0], $0xffff;
	(pc) =	sbr.rel @p0 .LBB2_7-.Ltmp2, $4  }
0x128: {  	v8 =	vld.idx.msk [tilespmem:v8+s22+$0x0], $0xffff  }
0x129: {  	s6 =	sand.u32 $0x70, s8;
	s8 =	sand.u32 $0x3C00, s5;
	v7 =	vld.idx.msk [tilespmem:v6+s22+$0x0], $0xffff  }
0x12a: {  	s26 =	sor.u32 s6, s8;
	v6 =	vld.idx.msk [tilespmem:v10+s22+$0x0], $0xffff  }
0x12b: {  	s6 =	sadd.s32 $0x11100, s26;
	v10 =	vld.idx.msk [tilespmem:v11+s22+$0x0], $0xffff  }
0x12c: {  	[tilespmem:s6+$0x80] =	vst v9  }
0x12d: {  	[tilespmem:s26+$0x11100] =	vst v4  }
0x12e: {  	[tilespmem:s6+$0x300] =	vst v5  }
0x12f: {  	[tilespmem:s6+$0x280] =	vst v8  }
0x130: {  	[tilespmem:s6+$0x100] =	vst v7  }
0x131: {  	[tilespmem:s6+$0x180] =	vst v6  }
0x132: {  	s5 =	sor.u32 $0x380, s7;
	[tilespmem:s6+$0x200] =	vst v10  }
0x133: {  	p0 =	seq.s32 s2, $0x4;
	[tilespmem:s5+$0x11100] =	vst v3  }
0x134: {  	v3 =	vld.msk @!p0 [tilespmem:s23+$0x28], $0xff;
	_ =	sdelay $0x4  }
0x135: {  	v4 =	vshll.u32 @!p0 v3, $0x4  }
0x136: {  	v5 =	vlaneseq.u32 @!p0;
	v3 =	vand.u32 @!p0 $0x7, v3;
	v4 =	vand.u32 @!p0 $0xFFFFFF80, v4  }
0x137: {  	v3 =	vor.u32 @!p0 v3, v4;
	v4 =	vand.u32 @!p0 $0x7, v5;
	v5 =	vshrl.u32 @!p0 v5, $0x3  }
0x138: {  	v3 =	vperm.xlane @!p0 v3, v4;
	v4 =	vmul.u32 @!p0 $0x8, v5;
	_ =	sdelay $0x1  }
0x139: {  	v3 =	vadd.s32 @!p0 v4, v3;
	_ =	sdelay $0x3  }
0x13a: {  	vm1 =	vmmov @!p0 $0xffff;
	s6 =	simm.s32 @!p0 $0x8900;
	s5 =	simm.s32 @!p0 $0x0  }
0x13b: {  	[tilespmem:s6], [sflag:$0x3] =	stream.indirect_vreg.gather @!p0 [hbm4b:s1+s5], $0x80, v3, vm1, $0xb8;
	[tilespmem:$0x13500] =	vst v63  }
0x13c: {  	s6 =	simm.s32 @!p0 $0x9100  }
0x13d: {  	[tilespmem:s6], [sflag:$0x3] =	stream.indirect_vreg.gather @!p0 [hbm4b:s10+s5], $0x80, v3, vm1, $0xb8;
	[tilespmem:$0x13500] =	vst v63  }
0x13e: {  	s6 =	simm.s32 @!p0 $0x9900  }
0x13f: {  	[tilespmem:s6], [sflag:$0x3] =	stream.indirect_vreg.gather @!p0 [hbm4b:s11+s5], $0x80, v3, vm1, $0xb8;
	[tilespmem:$0x13500] =	vst v63  }
0x140: {  	s6 =	simm.s32 @!p0 $0xA100  }
0x141: {  	[tilespmem:s6], [sflag:$0x3] =	stream.indirect_vreg.gather @!p0 [hbm4b:s12+s5], $0x80, v3, vm1, $0xb8;
	[tilespmem:$0x13500] =	vst v63  }
0x142: {  	s6 =	simm.s32 @!p0 $0xA900  }
0x143: {  	[tilespmem:s6], [sflag:$0x3] =	stream.indirect_vreg.gather @!p0 [hbm4b:s13+s5], $0x80, v3, vm1, $0xb8;
	[tilespmem:$0x13500] =	vst v63  }
0x144: {  	s6 =	simm.s32 @!p0 $0xB100  }
0x145: {  	[tilespmem:s6], [sflag:$0x3] =	stream.indirect_vreg.gather @!p0 [hbm4b:s14+s5], $0x80, v3, vm1, $0xb8;
	[tilespmem:$0x13500] =	vst v63  }
0x146: {  	s6 =	simm.s32 @!p0 $0xB900  }
0x147: {  	[tilespmem:s6], [sflag:$0x3] =	stream.indirect_vreg.gather @!p0 [hbm4b:s15+s5], $0x80, v3, vm1, $0xb8;
	[tilespmem:$0x13500] =	vst v63  }
0x148: {  	s2 =	sadd.s32 $0x1, s2;
	s7 =	simm.s32 @!p0 $0xC100  }
0x149: {  	[tilespmem:s7], [sflag:$0x3] =	stream.indirect_vreg.gather @!p0 [hbm4b:s16+s5], $0x80, v3, vm1, $0xb8;
	[tilespmem:$0x13500] =	vst v63  }
0x14a: {  	s26 =	sadd.s32 s18, s31;
	p0 =	sne.s32 s2, $0x5  }
.Ltmp3:
0x14b: {  	s6 =	sshrl.u32 s26, $0x3;
	(pc) =	sbr.rel @p0 .LBB2_2-.Ltmp3, $3  }
0x14c: {  	s6 =	smul.u32 $0x480, s6;
	_ =	sdelay $0x1  }
0x14d: {  	s31 =	simm.s32 $0x11100;
	s29 =	sadd.s32 s3, s6  }
0x14e: {  	[hbm4b:s29+s4] =	stream.linear.scatter [tilespmem:s31], [sflag:$0x6], $0x2400, $0x38;
	[tilespmem:$0x13500] =	vst v63  }
0x14f: {  	s26 =	simm.s32 $0x4  }
0x150: {  	_ =	swait.ge [sflag:s26], $0x2400  }
0x151: {  	[sflag:s26] =	ssyncset.done $0x0  }
0x152: {  	[sflag:s26] =	ssyncadd.s32 $0xFFFFDC00  }
0x153: {  	_ =	swait.ge [sflag:s25], $0x4000  }
0x154: {  	[sflag:s25] =	ssyncset.done $0x0  }
0x155: {  	s2 =	simm.s32 $0x0;
	[sflag:s25] =	ssyncadd.s32 $0xFFFFC000  }
0x156: {  	v3 =	vld [tilespmem:s2+$0x0];
	_ =	sdelay $0x4  }
0x157: {  	v4 =	vshll.u32 v3, $0x3  }
0x158: {  	v3 =	vand.u32 $0x7F, v3;
	v4 =	vand.u32 $0xFFFFFC00, v4  }
0x159: {  	v3 =	vor.u32 v3, v4  }
0x15a: {  	v5 =	vor.u32 $0x80, v3  }
0x15b: {  	v6 =	vor.u32 $0x300, v3  }
0x15c: {  	v7 =	vor.u32 $0x380, v3  }
0x15d: {  	v8 =	vor.u32 $0x280, v3  }
0x15e: {  	v10 =	vor.u32 $0x100, v3;
	v4 =	vld.idx.msk [tilespmem:v3+s24+$0x0], $0xffff  }
0x15f: {  	v11 =	vor.u32 $0x180, v3;
	v9 =	vld.idx.msk [tilespmem:v5+s24+$0x0], $0xffff  }
0x160: {  	v12 =	vor.u32 $0x200, v3;
	v5 =	vld.idx.msk [tilespmem:v6+s24+$0x0], $0xffff  }
0x161: {  	v3 =	vld.idx.msk [tilespmem:v7+s24+$0x0], $0xffff  }
0x162: {  	v8 =	vld.idx.msk [tilespmem:v8+s24+$0x0], $0xffff  }
0x163: {  	s7 =	simm.s32 $0x10;
	s19 =	simm.s32 $0x0;
	s5 =	sand.u32 $0x7, s2;
	v7 =	vld.idx.msk [tilespmem:v10+s24+$0x0], $0xffff  }
0x164: {  	s6 =	sand.u32 $0x70, s2;
	s8 =	sand.u32 $0x3C00, s2;
	s5 =	sshll.u32 s5, $0x4;
	v6 =	vld.idx.msk [tilespmem:v11+s24+$0x0], $0xffff  }
0x165: {  	s20 =	simm.s32 $0x0;
	s6 =	sor.u32 s6, s8;
	s5 =	sadd.s32 $0x0, s5;
	v10 =	vld.idx.msk [tilespmem:v12+s24+$0x0], $0xffff  }
.LBB2_10:
0x166: {  	s2 =	sadd.s32 $0x80, s2  }
0x167: {  	[tilespmem:s6+$0xC980] =	vst v9;
	s19 =	sadd.s32 $0x1, s19;
	s20 =	sadd.s32 $0x10, s20;
	s8 =	smov.u32 s7  }
0x168: {  	p0 =	sne.s32 s7, $0x430;
	s7 =	sadd.s32 $0x10, s7;
	s21 =	sand.u32 $0x7, s19;
	[tilespmem:s6+$0xC900] =	vst v4  }
0x169: {  	s21 =	sshll.u32 s21, $0x4;
	[tilespmem:s6+$0xCB80] =	vst v8  }
0x16a: {  	s21 =	sadd.s32 s21, s2;
	[tilespmem:s6+$0xCC00] =	vst v5  }
0x16b: {  	[tilespmem:s6+$0xCA00] =	vst v7  }
0x16c: {  	s23 =	sor.u32 $0x380, s5;
	s5 =	smov.u32 s21;
	[tilespmem:s6+$0xCB00] =	vst v10  }
0x16d: {  	[tilespmem:s6+$0xCA80] =	vst v6  }
0x16e: {  	[tilespmem:s23+$0xC900] =	vst v3  }
0x16f: {  	v3 =	vld [tilespmem:s20+$0x0];
	_ =	sdelay $0x4  }
0x170: {  	v4 =	vshll.u32 v3, $0x3  }
0x171: {  	v3 =	vand.u32 $0x7F, v3;
	v4 =	vand.u32 $0xFFFFFC00, v4  }
0x172: {  	v3 =	vor.u32 v3, v4  }
0x173: {  	v5 =	vor.u32 $0x80, v3;
	v6 =	vor.u32 $0x100, v3;
	v7 =	vor.u32 $0x300, v3  }
0x174: {  	v10 =	vor.u32 $0x180, v3;
	v11 =	vor.u32 $0x200, v3;
	v8 =	vor.u32 $0x280, v3  }
0x175: {  	v12 =	vor.u32 $0x380, v3;
	_ =	sdelay $0x1  }
0x176: {  	v4 =	vld.idx.msk [tilespmem:v3+s24+$0x0], $0xffff  }
0x177: {  	v9 =	vld.idx.msk [tilespmem:v5+s24+$0x0], $0xffff  }
0x178: {  	v5 =	vld.idx.msk [tilespmem:v7+s24+$0x0], $0xffff  }
.Ltmp4:
0x179: {  	v3 =	vld.idx.msk [tilespmem:v12+s24+$0x0], $0xffff;
	(pc) =	sbr.rel @p0 .LBB2_10-.Ltmp4, $4  }
0x17a: {  	v8 =	vld.idx.msk [tilespmem:v8+s24+$0x0], $0xffff  }
0x17b: {  	v7 =	vld.idx.msk [tilespmem:v6+s24+$0x0], $0xffff  }
0x17c: {  	s6 =	sand.u32 $0x70, s8;
	s8 =	sand.u32 $0x3C00, s2;
	v6 =	vld.idx.msk [tilespmem:v10+s24+$0x0], $0xffff  }
0x17d: {  	s6 =	sor.u32 s6, s8;
	v10 =	vld.idx.msk [tilespmem:v11+s24+$0x0], $0xffff  }
0x17e: {  	[tilespmem:s6+$0xC980] =	vst v9  }
0x17f: {  	[tilespmem:s6+$0xC900] =	vst v4  }
0x180: {  	[tilespmem:s6+$0xCC00] =	vst v5  }
0x181: {  	[tilespmem:s6+$0xCB80] =	vst v8  }
0x182: {  	[tilespmem:s6+$0xCA00] =	vst v7  }
0x183: {  	[tilespmem:s6+$0xCA80] =	vst v6  }
0x184: {  	s2 =	sor.u32 $0x380, s5;
	s20 =	rddreg [dreg:$0x8];
	[tilespmem:s6+$0xCB00] =	vst v10  }
0x185: {  	s21 =	simm.s32 $0xC900;
	s29 =	simm.s32 $0x5;
	[tilespmem:s2+$0xC900] =	vst v3;
	s2 =	simm.s32 $0x0  }
0x186: {  	[hbm4b:s20+s2] =	stream.linear.scatter [tilespmem:s21], [sflag:$0x4], $0x2400, $0x38;
	[tilespmem:$0x13500] =	vst v63  }
0x187: {  	_ =	swait.ge [sflag:s29], $0x2400  }
0x188: {  	[sflag:s29] =	ssyncset.done $0x0  }
0x189: {  	[sflag:s29] =	ssyncadd.s32 $0xFFFFDC00  }
0x18a: {  	_ =	swait.ge [sflag:s28], $0x4000  }
0x18b: {  	[sflag:s28] =	ssyncset.done $0x0  }
0x18c: {  	[sflag:s28] =	ssyncadd.s32 $0xFFFFC000  }
0x18d: {  	v3 =	vld [tilespmem:s2+$0x0];
	_ =	sdelay $0x4  }
0x18e: {  	v4 =	vshll.u32 v3, $0x3  }
0x18f: {  	v3 =	vand.u32 $0x7F, v3;
	v4 =	vand.u32 $0xFFFFFC00, v4  }
0x190: {  	v3 =	vor.u32 v3, v4  }
0x191: {  	v5 =	vor.u32 $0x80, v3  }
0x192: {  	v6 =	vor.u32 $0x300, v3  }
0x193: {  	v7 =	vor.u32 $0x380, v3  }
0x194: {  	v8 =	vor.u32 $0x280, v3  }
0x195: {  	v10 =	vor.u32 $0x100, v3;
	v4 =	vld.idx.msk [tilespmem:v3+s0+$0x0], $0xffff  }
0x196: {  	v11 =	vor.u32 $0x180, v3;
	v9 =	vld.idx.msk [tilespmem:v5+s0+$0x0], $0xffff  }
0x197: {  	v12 =	vor.u32 $0x200, v3;
	v5 =	vld.idx.msk [tilespmem:v6+s0+$0x0], $0xffff  }
0x198: {  	v3 =	vld.idx.msk [tilespmem:v7+s0+$0x0], $0xffff  }
0x199: {  	v8 =	vld.idx.msk [tilespmem:v8+s0+$0x0], $0xffff  }
0x19a: {  	s7 =	simm.s32 $0x10;
	s19 =	simm.s32 $0x0;
	s23 =	sand.u32 $0x7, s2;
	v7 =	vld.idx.msk [tilespmem:v10+s0+$0x0], $0xffff  }
0x19b: {  	s31 =	sand.u32 $0x70, s2;
	s8 =	sand.u32 $0x3C00, s2;
	s5 =	sshll.u32 s23, $0x4;
	v6 =	vld.idx.msk [tilespmem:v11+s0+$0x0], $0xffff  }
0x19c: {  	s20 =	simm.s32 $0x0;
	s6 =	sor.u32 s31, s8;
	s5 =	sadd.s32 $0x0, s5;
	v10 =	vld.idx.msk [tilespmem:v12+s0+$0x0], $0xffff  }
.LBB2_12:
0x19d: {  	s2 =	sadd.s32 $0x80, s2  }
0x19e: {  	[tilespmem:s6+$0xED80] =	vst v9;
	s19 =	sadd.s32 $0x1, s19;
	s20 =	sadd.s32 $0x10, s20;
	s8 =	smov.u32 s7  }
0x19f: {  	p0 =	sne.s32 s7, $0x430;
	s7 =	sadd.s32 $0x10, s7;
	s21 =	sand.u32 $0x7, s19;
	[tilespmem:s6+$0xED00] =	vst v4  }
0x1a0: {  	s21 =	sshll.u32 s21, $0x4;
	[tilespmem:s6+$0xEF80] =	vst v8  }
0x1a1: {  	s21 =	sadd.s32 s21, s2;
	[tilespmem:s6+$0xF000] =	vst v5  }
0x1a2: {  	[tilespmem:s6+$0xEE00] =	vst v7  }
0x1a3: {  	s23 =	sor.u32 $0x380, s5;
	s5 =	smov.u32 s21;
	[tilespmem:s6+$0xEF00] =	vst v10  }
0x1a4: {  	[tilespmem:s6+$0xEE80] =	vst v6  }
0x1a5: {  	[tilespmem:s23+$0xED00] =	vst v3  }
0x1a6: {  	v3 =	vld [tilespmem:s20+$0x0];
	_ =	sdelay $0x4  }
0x1a7: {  	v4 =	vshll.u32 v3, $0x3  }
0x1a8: {  	v3 =	vand.u32 $0x7F, v3;
	v4 =	vand.u32 $0xFFFFFC00, v4  }
0x1a9: {  	v3 =	vor.u32 v3, v4  }
0x1aa: {  	v5 =	vor.u32 $0x80, v3;
	v6 =	vor.u32 $0x100, v3;
	v7 =	vor.u32 $0x300, v3  }
0x1ab: {  	v10 =	vor.u32 $0x180, v3;
	v11 =	vor.u32 $0x200, v3;
	v8 =	vor.u32 $0x280, v3  }
0x1ac: {  	v12 =	vor.u32 $0x380, v3;
	_ =	sdelay $0x1  }
0x1ad: {  	v4 =	vld.idx.msk [tilespmem:v3+s0+$0x0], $0xffff  }
0x1ae: {  	v9 =	vld.idx.msk [tilespmem:v5+s0+$0x0], $0xffff  }
0x1af: {  	v5 =	vld.idx.msk [tilespmem:v7+s0+$0x0], $0xffff  }
.Ltmp5:
0x1b0: {  	v3 =	vld.idx.msk [tilespmem:v12+s0+$0x0], $0xffff;
	(pc) =	sbr.rel @p0 .LBB2_12-.Ltmp5, $4  }
0x1b1: {  	v8 =	vld.idx.msk [tilespmem:v8+s0+$0x0], $0xffff  }
0x1b2: {  	v7 =	vld.idx.msk [tilespmem:v6+s0+$0x0], $0xffff  }
0x1b3: {  	s6 =	sand.u32 $0x70, s8;
	s8 =	sand.u32 $0x3C00, s2;
	v6 =	vld.idx.msk [tilespmem:v10+s0+$0x0], $0xffff  }
0x1b4: {  	s6 =	sor.u32 s6, s8;
	v10 =	vld.idx.msk [tilespmem:v11+s0+$0x0], $0xffff  }
0x1b5: {  	[tilespmem:s6+$0xED80] =	vst v9  }
0x1b6: {  	[tilespmem:s6+$0xED00] =	vst v4  }
0x1b7: {  	[tilespmem:s6+$0xF000] =	vst v5  }
0x1b8: {  	[tilespmem:s6+$0xEF80] =	vst v8  }
0x1b9: {  	[tilespmem:s6+$0xEE00] =	vst v7  }
0x1ba: {  	[tilespmem:s6+$0xEE80] =	vst v6  }
0x1bb: {  	s2 =	sor.u32 $0x380, s5;
	[tilespmem:s6+$0xEF00] =	vst v10  }
0x1bc: {  	s21 =	rddreg [dreg:$0x9];
	s23 =	simm.s32 $0xED00;
	[tilespmem:s2+$0xED00] =	vst v3  }
0x1bd: {  	[hbm4b:s21+s4] =	stream.linear.scatter [tilespmem:s23], [sflag:$0x5], $0x2400, $0x38;
	[tilespmem:$0x13500] =	vst v63  }
0x1be: {  	_ =	swait.ge [sflag:s26], $0x2400  }
0x1bf: {  	[sflag:s26] =	ssyncset.done $0x0  }
0x1c0: {  	[sflag:s26] =	ssyncadd.s32 $0xFFFFDC00  }
0x1c1: {  	_ =	swait.ge [sflag:s29], $0x2400  }
0x1c2: {  	[sflag:s29] =	ssyncset.done $0x0  }
0x1c3: {  	s26 =	simm.s32 $0x6;
	[sflag:s29] =	ssyncadd.s32 $0xFFFFDC00  }
0x1c4: {  	_ =	swait.ge [sflag:s26], $0x2400  }
0x1c5: {  	s29 =	rddreg [dreg:$0xb]  }
0x1c6: {  	s31 =	rddreg [dreg:$0xa];
	s6 =	sadd.s32 $0x1, s29  }
0x1c7: {  	p0 =	sne.s32 s6, s31  }
.Ltmp6:
0x1c8: {  	_ = 	snop;
	(pc) =	sbr.rel @p0 .LBB2_1-.Ltmp6, $3  }
0x1c9: {  	_ =	sdelay $0x1  }
0x1ca: {  	[sflag:s26] =	ssyncset.done $0x0  }
0x1cb: {  	[sflag:s26] =	ssyncadd.s32 $0xFFFFDC00  }
0x1cc: {  	_ =	sfence.sel $0x180000  }
0x1cd: {  	[bflag:$0x0] =	sbarrier.arrive $0xFFFF  }
0x1ce: {  	_ =	strace $0x90000047  }
0x1cf: {  	s0 =	stileid.u32;
	[bflag:$0x2] =	sbarrier.arrive $0xFFFF  }
0x1d0: {  	p0 =	sne.s32 s0, $0x0;
	s0 =	rddreg [dreg:$0x3]  }
0x1d1: {  	s0 =	sadd.s32 @!p0 $0x100000, s0  }
0x1d2: {  	[sflag:s0] =	ssyncadd.tile.s32 @!p0 $0x1;
	_ =	shalt  }
.Lfunc_end2:
_tile_overlayer_lowered:
.L_overlay_start_2:
0x1d3: {  	(tag) =	ssettag $0x2  }
0x1d4: {  	s0 =	rddreg [dreg:$0x0];
	s2 =	stileid.u32  }
0x1d5: {  	s1 =	rddreg [dreg:$0x1];
	p0 =	sne.s32 s2, $0x0  }
0x1d6: {  	s3 =	rddreg [dreg:$0x2];
	[bflag:$0x3] =	sbarrier.arrive $0xFFFF;
	s2 =	simm.s32 @!p0 $0x1C07  }
0x1d7: {  	[timem:s3], [sflag:s2] =	dma.local @!p0 [hbm:s0], s1  }
0x1d8: {  	s0 =	simm.s32 @!p0 $0x7  }
0x1d9: {  	_ =	swait.ge @!p0 [sflag:s0], s1  }
0x1da: {  	s1 =	ssub.s32 @!p0 $0x0, s1;
	[sflag:s0] =	ssyncset.done @!p0 $0x0  }
0x1db: {  	[sflag:s0] =	ssyncadd.s32 @!p0 s1  }
0x1dc: {  	[bflag:$0x3] =	sbarrier.arrive $0xFFFF  }
0x1dd: {  	_ =	shalt  }

</sc_bundles>
